<compile_context>
chip_gen: v7x
topology: tpu7x:2x2x1
jax: 0.10.2.dev20260603
libtpu: 0.0.44.dev20260713+nightly
codegen_flags: <defaults>
</compile_context>

<pallas_src>
import functools

import jax
import jax.numpy as jnp
from jax import lax
from jax.experimental import pallas as pl
from jax.experimental.pallas import tpu as pltpu
from jax.experimental.pallas import tpu_sc as plsc

N_NODES = 10000
N_EDGES = 320000
D_X = 128
D_H = 32
D_OUT = 64
D_NOISE = 16
N_SAMPLES = 4

SC_CORES = 2
SC_SUBCORES = 16
N_TILES = SC_CORES * SC_SUBCORES
BLK = 64
NBLK = 160
EDGES_PER_TILE = NBLK * BLK
REAL_PER_TILE = N_EDGES // N_TILES
N_PAD = 10240
ROWS_PER_TILE = N_PAD // SC_SUBCORES
GCOLS = D_OUT + N_SAMPLES * D_NOISE
PACK_BITS = 14


def _segment_sum_sc(gcat, packed2):
    mesh = plsc.VectorSubcoreMesh(
        core_axis_name="c", subcore_axis_name="s")

    @functools.partial(
        pl.kernel,
        out_type=jax.ShapeDtypeStruct((SC_CORES, N_PAD, GCOLS), jnp.float32),
        mesh=mesh,
        scratch_types=[
            pltpu.VMEM((NBLK, BLK), jnp.int32),
            pltpu.VMEM((2, BLK), jnp.int32),
            pltpu.VMEM((2, BLK), jnp.int32),
            pltpu.VMEM((BLK, GCOLS), jnp.float32),
            pltpu.VMEM((BLK, GCOLS), jnp.float32),
            pltpu.VMEM_SHARED((N_PAD, GCOLS), jnp.float32),
            pltpu.SemaphoreType.DMA,
            pltpu.SemaphoreType.DMA,
            pltpu.SemaphoreType.DMA,
            pltpu.SemaphoreType.DMA,
        ],
    )
    def k(g_hbm, pk_hbm, out_hbm,
          pk_v, src_v, dst_v, rows_a, rows_b, acc_sh,
          sem_a, sem_b, ssem_a, ssem_b):
        c = lax.axis_index("c")
        s = lax.axis_index("s")
        wid = c * SC_SUBCORES + s

        pltpu.sync_copy(pk_hbm.at[wid], pk_v)

        mask = jnp.full((16,), (1 << PACK_BITS) - 1, jnp.int32)
        shift = jnp.full((16,), PACK_BITS, jnp.int32)

        def unpack(j, slot):
            @pl.loop(0, BLK, step=16)
            def _(cc):
                p = pk_v[j, pl.ds(cc, 16)]
                src_v[slot, pl.ds(cc, 16)] = p & mask
                dst_v[slot, pl.ds(cc, 16)] = lax.shift_right_logical(p, shift)

        zeros16 = jnp.zeros((16,), jnp.float32)

        @pl.loop(0, BLK)
        def _(r):
            @pl.loop(0, GCOLS, step=16)
            def _(cc):
                rows_a[r, pl.ds(cc, 16)] = zeros16

        @pl.loop(0, ROWS_PER_TILE, step=BLK)
        def _(r):
            pltpu.sync_copy(
                rows_a, acc_sh.at[pl.ds(s * ROWS_PER_TILE + r, BLK)])

        plsc.subcore_barrier()

        unpack(0, 0)
        pltpu.async_copy(g_hbm.at[src_v.at[0]], rows_a, sem_a)

        @pl.loop(0, NBLK, step=2)
        def _(j):
            pltpu.make_async_copy(g_hbm.at[src_v.at[0]], rows_a, sem_a).wait()

            @pl.when(j > 0)
            def _():
                pltpu.make_async_copy(
                    rows_b, acc_sh.at[dst_v.at[1]], ssem_b).wait()

            unpack(j + 1, 1)
            pltpu.async_copy(g_hbm.at[src_v.at[1]], rows_b, sem_b)
            pltpu.async_copy(rows_a, acc_sh.at[dst_v.at[0]], ssem_a, add=True)
            pltpu.make_async_copy(
                g_hbm.at[src_v.at[1]], rows_b, sem_b).wait()
            pltpu.make_async_copy(
                rows_a, acc_sh.at[dst_v.at[0]], ssem_a).wait()

            @pl.when(j + 2 < NBLK)
            def _():
                unpack(j + 2, 0)
                pltpu.async_copy(g_hbm.at[src_v.at[0]], rows_a, sem_a)

            pltpu.async_copy(rows_b, acc_sh.at[dst_v.at[1]], ssem_b, add=True)

        pltpu.make_async_copy(rows_b, acc_sh.at[dst_v.at[1]], ssem_b).wait()

        plsc.subcore_barrier()

        pltpu.sync_copy(
            acc_sh.at[pl.ds(s * ROWS_PER_TILE, ROWS_PER_TILE)],
            out_hbm.at[c, pl.ds(s * ROWS_PER_TILE, ROWS_PER_TILE)])

    return k(gcat, packed2)


def _project_y(x2, h2, wx, wh):
    blk = 1000

    def body(x_ref, h_ref, wx_ref, wh_ref, o_ref):
        o_ref[...] = (
            jnp.dot(x_ref[...], wx_ref[...],
                    preferred_element_type=jnp.float32)
            + jnp.dot(h_ref[...], wh_ref[...],
                      preferred_element_type=jnp.float32))

    return pl.pallas_call(
        body,
        grid=(N_NODES // blk,),
        in_specs=[
            pl.BlockSpec((blk, D_X), lambda i: (i, 0)),
            pl.BlockSpec((blk, D_H), lambda i: (i, 0)),
            pl.BlockSpec((D_X, D_OUT), lambda i: (0, 0)),
            pl.BlockSpec((D_H, D_OUT), lambda i: (0, 0)),
        ],
        out_specs=pl.BlockSpec((blk, D_OUT), lambda i: (i, 0)),
        out_shape=jax.ShapeDtypeStruct((N_NODES, D_OUT), jnp.float32),
    )(x2, h2, wx, wh)


def _combine(y, e_all, p0, p1, we, b2, s2):
    blk = 1000

    def body(y_ref, e_ref, p0_ref, p1_ref, we_ref, b_ref, s_ref, o_ref):
        sc = s_ref[0, 0]
        aggy = p0_ref[:, :D_OUT] + p1_ref[:, :D_OUT]
        agge = p0_ref[:, D_OUT:] + p1_ref[:, D_OUT:]
        base = sc * y_ref[...] + aggy + b_ref[...]
        u = sc * e_ref[...] + agge
        sums = []
        for i in range(N_SAMPLES):
            v = jnp.dot(u[:, D_NOISE * i:D_NOISE * (i + 1)], we_ref[...],
                        preferred_element_type=jnp.float32)
            r = jnp.maximum(base + v, 0.0)
            sums.append(jnp.sum(r, axis=0))
        res = jnp.stack(sums, axis=0)

        @pl.when(pl.program_id(0) == 0)
        def _():
            o_ref[...] = jnp.zeros_like(o_ref)

        o_ref[...] += res

    return pl.pallas_call(
        body,
        grid=(N_NODES // blk,),
        in_specs=[
            pl.BlockSpec((blk, D_OUT), lambda i: (i, 0)),
            pl.BlockSpec((blk, N_SAMPLES * D_NOISE), lambda i: (i, 0)),
            pl.BlockSpec((blk, GCOLS), lambda i: (i, 0)),
            pl.BlockSpec((blk, GCOLS), lambda i: (i, 0)),
            pl.BlockSpec((D_NOISE, D_OUT), lambda i: (0, 0)),
            pl.BlockSpec((1, D_OUT), lambda i: (0, 0)),
            pl.BlockSpec((1, 1), lambda i: (0, 0)),
        ],
        out_specs=pl.BlockSpec((N_SAMPLES, D_OUT), lambda i: (0, 0)),
        out_shape=jax.ShapeDtypeStruct((N_SAMPLES, D_OUT), jnp.float32),
    )(y, e_all, p0, p1, we, b2, s2)


def kernel(A, X, input_graph, h, W, b, eps):
    x2 = X[0]
    h2 = h[0]
    wx = W[:D_X]
    we = W[D_X:D_X + D_NOISE]
    wh = W[D_X + D_NOISE:]

    ekey = jax.random.key(12345)
    epsilon = jax.random.bernoulli(
        ekey, 0.5, (N_SAMPLES, N_NODES, D_NOISE)).astype(jnp.float32)
    e_all = epsilon.transpose(1, 0, 2).reshape(N_NODES, N_SAMPLES * D_NOISE)

    y = _project_y(x2, h2, wx, wh)
    gcat = jnp.concatenate([y, e_all], axis=1)

    pad = EDGES_PER_TILE - REAL_PER_TILE
    src_r = jnp.pad(input_graph[0].reshape(N_TILES, REAL_PER_TILE),
                    ((0, 0), (0, pad)))
    dst_r = jnp.pad(input_graph[1].reshape(N_TILES, REAL_PER_TILE),
                    ((0, 0), (0, pad)), constant_values=N_PAD - 1)
    packed2 = (src_r | (dst_r << PACK_BITS)).reshape(N_TILES, NBLK, BLK)

    agg = _segment_sum_sc(gcat, packed2)[:, :N_NODES]

    s2 = (1.0 + eps).astype(jnp.float32).reshape(1, 1)
    b2 = b.reshape(1, D_OUT)
    sums = _combine(y, e_all, agg[0], agg[1], we, b2, s2)

    vec = jnp.maximum(sums * (1.0 / N_NODES), 0.0)
    out = jnp.broadcast_to(vec[:, None, :], (N_SAMPLES, N_NODES, D_OUT))
    return (out, epsilon)

# --- scband reference (transcript-rebuilt; emitter-appended) ---
"""Pipeline reference for scband-gin-46059229283235 (READ-ONLY COPY).

The authoritative reference and input builder live on the scoring server;
editing this copy changes nothing except your own understanding.
"""

import jax, jax.numpy as jnp
import numpy as np

L = 1
INPUT_DIM = 128
OUTPUT_DIMS = [64]
NOISE_DIM = 16
SAMPLE_SIZE = 4
N_NODES = 10000
N_EDGES = 320000
H_DIM = 32


def setup_inputs(seed: int = 0) -> dict:
    key = jax.random.key(seed)
    ks = jax.random.split(key, 8)
    A = jax.random.randint(ks[0], (2, N_EDGES), 0, N_NODES, dtype=jnp.int32)
    X = jax.random.normal(ks[1], (1, N_NODES, INPUT_DIM), dtype=jnp.float32)
    input_graph = jax.random.randint(ks[2], (2, N_EDGES), 0, N_NODES, dtype=jnp.int32)
    h = jax.random.normal(ks[3], (1, N_NODES, H_DIM), dtype=jnp.float32)
    # learned params: single GINConv layer (L=1): Linear(input_dim+noise_dim+32 -> output_dims[0]), learnable eps (init 0)
    in_dim = INPUT_DIM + NOISE_DIM + H_DIM
    W = jax.random.normal(ks[4], (in_dim, OUTPUT_DIMS[0]), dtype=jnp.float32) * 0.05
    b = jnp.zeros((OUTPUT_DIMS[0],), dtype=jnp.float32)
    eps = jnp.zeros((), dtype=jnp.float32)
    return {"A": A, "X": X, "input_graph": input_graph, "h": h, "W": W, "b": b, "eps": eps}


def reference(A, X, input_graph, h, W, b, eps):
    N = X.shape[1]
    featMatrix = jnp.broadcast_to(X, (SAMPLE_SIZE, N, X.shape[2]))
    h_exp = jnp.broadcast_to(h, (SAMPLE_SIZE, N, H_DIM))
    # Bernoulli(0.5) noise generated in forward (fixed key for determinism)
    ekey = jax.random.key(12345)
    epsilon = jax.random.bernoulli(ekey, 0.5, (SAMPLE_SIZE, N, NOISE_DIM)).astype(jnp.float32)
    temp = jnp.concatenate([featMatrix, epsilon, h_exp], axis=2)
    src = input_graph[0]
    dst = input_graph[1]
    outs = []
    for i in range(SAMPLE_SIZE):
        t = temp[i]
        # DGL GINConv, aggregator_type='sum': rst = (1+eps)*x + sum_{j in N(i)} x_j, then Linear, then activation
        agg = jax.ops.segment_sum(jnp.take(t, src, axis=0), dst, num_segments=N)
        rst = (1.0 + eps) * t + agg
        out = jax.nn.relu(rst @ W + b)
        # mean READOUT over nodes (dim=0) -> (D,), then broadcast-assign into outputTensor[i]
        vec = jnp.mean(out, axis=0)
        outs.append(jnp.broadcast_to(vec, (N, OUTPUT_DIMS[0])))
    outputTensor = jnp.stack(outs, axis=0)
    return (jax.nn.relu(outputTensor), epsilon)

if __name__ == "__main__":
    import jax
    _d = setup_inputs()
    print(jax.jit(kernel)(*tuple(_d.values())))

</pallas_src>

<mosaic_0001>
#map = affine_map<(d0, d1) -> (0, 0)>
#map1 = affine_map<(d0, d1) -> (0, 0, 0)>
module attributes {stable_mosaic.version = 14 : i64} {
  func.func @k(%arg0: i32, %arg1: i32, %arg2: memref<10000x128xf32, #tpu.memory_space<hbm>>, %arg3: memref<32x160x64xi32, #tpu.memory_space<hbm>>, %arg4: memref<2x10240x128xf32, #tpu.memory_space<hbm>>, %arg5: memref<160x64xi32, #tpu.memory_space<vmem>>, %arg6: memref<2x64xi32, #tpu.memory_space<vmem>>, %arg7: memref<2x64xi32, #tpu.memory_space<vmem>>, %arg8: memref<64x128xf32, #tpu.memory_space<vmem>>, %arg9: memref<64x128xf32, #tpu.memory_space<vmem>>, %arg10: memref<10240x128xf32, #tpu.memory_space<vmem_shared>>, %arg11: memref<!tpu.dma_semaphore, #tpu.memory_space<semaphore_mem>>, %arg12: memref<!tpu.dma_semaphore, #tpu.memory_space<semaphore_mem>>, %arg13: memref<!tpu.dma_semaphore, #tpu.memory_space<semaphore_mem>>, %arg14: memref<!tpu.dma_semaphore, #tpu.memory_space<semaphore_mem>>) attributes {dimension_semantics = [#tpu.dimension_semantics<core_parallel>, #tpu.dimension_semantics<subcore_parallel>], iteration_bounds = array<i64: 2, 16>, scalar_prefetch = 0 : i64, scratch_operands = 10 : i64, tpu.core_type = #tpu.core_type<sc_vector_subcore>, window_params = [{transform_indices = #map}, {transform_indices = #map1}, {transform_indices = #map1}]} {
    %mul3A = arith.constant 16 : i32
    %mul3A_0 = arith.muli %arg0, %mul3A : i32
    %add3A = arith.addi %mul3A_0, %arg1 : i32
    "tpu.region"() ({
      %run_scoped3A = tpu.sem_alloc : memref<!tpu.dma_semaphore, #tpu.memory_space<semaphore_mem>>
      %dma_start3A_42 = arith.constant 0 : i32
      %dma_start3A_43 = arith.constant 0 : i32
      %dma_start3A_44 = tpu.memref_slice %arg3[%add3A, %dma_start3A_42, %dma_start3A_43] : memref<32x160x64xi32, #tpu.memory_space<hbm>> -> memref<1x160x64xi32, #tpu.memory_space<hbm>>
      %dma_start3A_45 = tpu.memref_squeeze %dma_start3A_44 : memref<1x160x64xi32, #tpu.memory_space<hbm>> -> memref<160x64xi32, #tpu.memory_space<hbm>>
      %dma_start3A_46 = arith.constant 0 : i32
      %dma_start3A_47 = arith.constant 0 : i32
      %dma_start3A_48 = tpu.memref_slice %arg3[%add3A, %dma_start3A_46, %dma_start3A_47] : memref<32x160x64xi32, #tpu.memory_space<hbm>> -> memref<1x160x64xi32, #tpu.memory_space<hbm>>
      %dma_start3A_49 = tpu.memref_squeeze %dma_start3A_48 : memref<1x160x64xi32, #tpu.memory_space<hbm>> -> memref<160x64xi32, #tpu.memory_space<hbm>>
      tpu.enqueue_dma source(%dma_start3A_49 : memref<160x64xi32, #tpu.memory_space<hbm>>) target(%arg5 : memref<160x64xi32, #tpu.memory_space<vmem>>) target_semaphore(%run_scoped3A : memref<!tpu.dma_semaphore, #tpu.memory_space<semaphore_mem>>)
      %dma_wait3A_50 = arith.constant 0 : i32
      %dma_wait3A_51 = arith.constant 0 : i32
      %dma_wait3A_52 = tpu.memref_slice %arg3[%add3A, %dma_wait3A_50, %dma_wait3A_51] : memref<32x160x64xi32, #tpu.memory_space<hbm>> -> memref<1x160x64xi32, #tpu.memory_space<hbm>>
      %dma_wait3A_53 = tpu.memref_squeeze %dma_wait3A_52 : memref<1x160x64xi32, #tpu.memory_space<hbm>> -> memref<160x64xi32, #tpu.memory_space<hbm>>
      %dma_wait3A_54 = arith.constant 0 : i32
      %dma_wait3A_55 = arith.constant 0 : i32
      %dma_wait3A_56 = tpu.memref_slice %arg3[%add3A, %dma_wait3A_54, %dma_wait3A_55] : memref<32x160x64xi32, #tpu.memory_space<hbm>> -> memref<1x160x64xi32, #tpu.memory_space<hbm>>
      %dma_wait3A_57 = tpu.memref_squeeze %dma_wait3A_56 : memref<1x160x64xi32, #tpu.memory_space<hbm>> -> memref<160x64xi32, #tpu.memory_space<hbm>>
      tpu.wait_dma2 semaphore(%run_scoped3A : memref<!tpu.dma_semaphore, #tpu.memory_space<semaphore_mem>>) src(%dma_wait3A_57 : memref<160x64xi32, #tpu.memory_space<hbm>>) dst(%arg5 : memref<160x64xi32, #tpu.memory_space<vmem>>)
      tpu.yield
    }) : () -> ()
    %broadcast_in_dim3A = arith.constant 16383 : i32
    %broadcast_in_dim3A_1 = vector.broadcast %broadcast_in_dim3A : i32 to vector<16xi32>
    %broadcast_in_dim3A_2 = arith.constant 14 : i32
    %broadcast_in_dim3A_3 = vector.broadcast %broadcast_in_dim3A_2 : i32 to vector<16xi32>
    %broadcast_in_dim3A_4 = arith.constant 0.000000e+00 : f32
    %broadcast_in_dim3A_5 = vector.broadcast %broadcast_in_dim3A_4 : f32 to vector<16xf32>
    %scan3A = arith.constant 0 : i32
    %scan3A_6 = arith.constant 64 : i32
    %scan3A_7 = arith.addi %scan3A, %scan3A_6 : i32
    %scan3A_8 = arith.constant 1 : i32
    scf.for %scan3A_42 = %scan3A to %scan3A_7 step %scan3A_8  : i32 {
      %mul3A_43 = arith.constant 1 : i32
      %mul3A_44 = arith.muli %scan3A_42, %mul3A_43 : i32
      %add3A_45 = arith.constant 0 : i32
      %add3A_46 = arith.addi %add3A_45, %mul3A_44 : i32
      %scan3A_47 = arith.constant 0 : i32
      %scan3A_48 = arith.constant 8 : i32
      %scan3A_49 = arith.addi %scan3A_47, %scan3A_48 : i32
      %scan3A_50 = arith.constant 1 : i32
      scf.for %scan3A_52 = %scan3A_47 to %scan3A_49 step %scan3A_50  : i32 {
        %mul3A_53 = arith.constant 16 : i32
        %mul3A_54 = arith.muli %scan3A_52, %mul3A_53 : i32
        %add3A_55 = arith.constant 0 : i32
        %add3A_56 = arith.addi %add3A_55, %mul3A_54 : i32
        %swap3A = arith.index_cast %add3A_46 : i32 to index
        %swap3A_57 = arith.index_cast %add3A_56 : i32 to index
        %swap3A_58 = tpu.vector_load %arg8[%swap3A, %swap3A_57] {strides = array<i32>} : memref<64x128xf32, #tpu.memory_space<vmem>>, vector<1x16xf32>,
        %swap3A_59 = vector.shape_cast %swap3A_58 : vector<1x16xf32> to vector<16xf32>
        %swap3A_60 = vector.shape_cast %broadcast_in_dim3A_5 : vector<16xf32> to vector<1x16xf32>
        tpu.vector_store %arg8[%swap3A, %swap3A_57], %swap3A_60 {strides = array<i32>} : memref<64x128xf32, #tpu.memory_space<vmem>>, vector<1x16xf32>,
      }
      %scan3A_51 = arith.constant 8 : i32
    }
    %scan3A_9 = arith.constant 64 : i32
    %scan3A_10 = arith.constant 0 : i32
    %scan3A_11 = arith.constant 10 : i32
    %scan3A_12 = arith.addi %scan3A_10, %scan3A_11 : i32
    %scan3A_13 = arith.constant 1 : i32
    scf.for %scan3A_42 = %scan3A_10 to %scan3A_12 step %scan3A_13  : i32 {
      %mul3A_43 = arith.constant 64 : i32
      %mul3A_44 = arith.muli %scan3A_42, %mul3A_43 : i32
      %add3A_45 = arith.constant 0 : i32
      %add3A_46 = arith.addi %add3A_45, %mul3A_44 : i32
      %mul3A_47 = arith.constant 640 : i32
      %mul3A_48 = arith.muli %arg1, %mul3A_47 : i32
      %add3A_49 = arith.addi %mul3A_48, %add3A_46 : i32
      "tpu.region"() ({
        %run_scoped3A = tpu.sem_alloc : memref<!tpu.dma_semaphore, #tpu.memory_space<semaphore_mem>>
        %dma_start3A_50 = arith.constant 0 : i32
        %dma_start3A_51 = tpu.memref_slice %arg10[%add3A_49, %dma_start3A_50] : memref<10240x128xf32, #tpu.memory_space<vmem_shared>> -> memref<64x128xf32, #tpu.memory_space<vmem_shared>>
        %dma_start3A_52 = arith.constant 0 : i32
        %dma_start3A_53 = tpu.memref_slice %arg10[%add3A_49, %dma_start3A_52] : memref<10240x128xf32, #tpu.memory_space<vmem_shared>> -> memref<64x128xf32, #tpu.memory_space<vmem_shared>>
        tpu.enqueue_dma source(%arg8 : memref<64x128xf32, #tpu.memory_space<vmem>>) target(%dma_start3A_53 : memref<64x128xf32, #tpu.memory_space<vmem_shared>>) target_semaphore(%run_scoped3A : memref<!tpu.dma_semaphore, #tpu.memory_space<semaphore_mem>>)
        %dma_wait3A_54 = arith.constant 0 : i32
        %dma_wait3A_55 = tpu.memref_slice %arg10[%add3A_49, %dma_wait3A_54] : memref<10240x128xf32, #tpu.memory_space<vmem_shared>> -> memref<64x128xf32, #tpu.memory_space<vmem_shared>>
        %dma_wait3A_56 = arith.constant 0 : i32
        %dma_wait3A_57 = tpu.memref_slice %arg10[%add3A_49, %dma_wait3A_56] : memref<10240x128xf32, #tpu.memory_space<vmem_shared>> -> memref<64x128xf32, #tpu.memory_space<vmem_shared>>
        tpu.wait_dma2 semaphore(%run_scoped3A : memref<!tpu.dma_semaphore, #tpu.memory_space<semaphore_mem>>) src(%arg8 : memref<64x128xf32, #tpu.memory_space<vmem>>) dst(%dma_wait3A_57 : memref<64x128xf32, #tpu.memory_space<vmem_shared>>)
        tpu.yield
      }) : () -> ()
    }
    %scan3A_14 = arith.constant 10 : i32
    %barrier3A = arith.constant 0 : index
    tpu.barrier barrier_id(%barrier3A)
    %scan3A_15 = arith.constant 0 : i32
    %scan3A_16 = arith.constant 4 : i32
    %scan3A_17 = arith.addi %scan3A_15, %scan3A_16 : i32
    %scan3A_18 = arith.constant 1 : i32
    scf.for %scan3A_42 = %scan3A_15 to %scan3A_17 step %scan3A_18  : i32 {
      %mul3A_43 = arith.constant 16 : i32
      %mul3A_44 = arith.muli %scan3A_42, %mul3A_43 : i32
      %add3A_45 = arith.constant 0 : i32
      %add3A_46 = arith.addi %add3A_45, %mul3A_44 : i32
      %get3A = arith.constant 0 : i32
      %get3A_47 = arith.index_cast %get3A : i32 to index
      %get3A_48 = arith.index_cast %add3A_46 : i32 to index
      %get3A_49 = tpu.vector_load %arg5[%get3A_47, %get3A_48] {strides = array<i32>} : memref<160x64xi32, #tpu.memory_space<vmem>>, vector<1x16xi32>,
      %get3A_50 = vector.shape_cast %get3A_49 : vector<1x16xi32> to vector<16xi32>
      %and3A = arith.andi %get3A_50, %broadcast_in_dim3A_1 : vector<16xi32>
      %swap3A = arith.constant 0 : i32
      %swap3A_51 = arith.index_cast %swap3A : i32 to index
      %swap3A_52 = arith.index_cast %add3A_46 : i32 to index
      %swap3A_53 = tpu.vector_load %arg6[%swap3A_51, %swap3A_52] {strides = array<i32>} : memref<2x64xi32, #tpu.memory_space<vmem>>, vector<1x16xi32>,
      %swap3A_54 = vector.shape_cast %swap3A_53 : vector<1x16xi32> to vector<16xi32>
      %swap3A_55 = vector.shape_cast %and3A : vector<16xi32> to vector<1x16xi32>
      tpu.vector_store %arg6[%swap3A_51, %swap3A_52], %swap3A_55 {strides = array<i32>} : memref<2x64xi32, #tpu.memory_space<vmem>>, vector<1x16xi32>,
      %shift_right_logical3A = arith.shrui %get3A_50, %broadcast_in_dim3A_3 : vector<16xi32>
      %swap3A_56 = arith.constant 0 : i32
      %swap3A_57 = arith.index_cast %swap3A_56 : i32 to index
      %swap3A_58 = arith.index_cast %add3A_46 : i32 to index
      %swap3A_59 = tpu.vector_load %arg7[%swap3A_57, %swap3A_58] {strides = array<i32>} : memref<2x64xi32, #tpu.memory_space<vmem>>, vector<1x16xi32>,
      %swap3A_60 = vector.shape_cast %swap3A_59 : vector<1x16xi32> to vector<16xi32>
      %swap3A_61 = vector.shape_cast %shift_right_logical3A : vector<16xi32> to vector<1x16xi32>
      tpu.vector_store %arg7[%swap3A_57, %swap3A_58], %swap3A_61 {strides = array<i32>} : memref<2x64xi32, #tpu.memory_space<vmem>>, vector<1x16xi32>,
    }
    %scan3A_19 = arith.constant 4 : i32
    %dma_start3A = arith.constant 0 : i32
    %dma_start3A_20 = arith.constant 0 : i32
    %dma_start3A_21 = tpu.memref_slice %arg6[%dma_start3A, %dma_start3A_20] : memref<2x64xi32, #tpu.memory_space<vmem>> -> memref<1x64xi32, #tpu.memory_space<vmem>>
    %dma_start3A_22 = tpu.memref_squeeze %dma_start3A_21 : memref<1x64xi32, #tpu.memory_space<vmem>> -> memref<64xi32, #tpu.memory_space<vmem>>
    %dma_start3A_23 = arith.constant 0 : i32
    %dma_start3A_24 = arith.constant 0 : i32
    %dma_start3A_25 = tpu.memref_slice %arg2[%dma_start3A_23, %dma_start3A_24] : memref<10000x128xf32, #tpu.memory_space<hbm>> -> memref<10000x128xf32, #tpu.memory_space<hbm>>
    tpu.enqueue_indirect_dma source(%dma_start3A_25 : memref<10000x128xf32, #tpu.memory_space<hbm>>) target(%arg8 : memref<64x128xf32, #tpu.memory_space<vmem>>) offsets(%dma_start3A_22 : memref<64xi32, #tpu.memory_space<vmem>>) semaphore(%arg11 : memref<!tpu.dma_semaphore, #tpu.memory_space<semaphore_mem>>)
    %scan3A_26 = arith.constant 0 : i32
    %scan3A_27 = arith.constant 80 : i32
    %scan3A_28 = arith.addi %scan3A_26, %scan3A_27 : i32
    %scan3A_29 = arith.constant 1 : i32
    scf.for %scan3A_42 = %scan3A_26 to %scan3A_28 step %scan3A_29  : i32 {
      %mul3A_43 = arith.constant 2 : i32
      %mul3A_44 = arith.muli %scan3A_42, %mul3A_43 : i32
      %add3A_45 = arith.constant 0 : i32
      %add3A_46 = arith.addi %add3A_45, %mul3A_44 : i32
      %dma_wait3A_47 = arith.constant 0 : i32
      %dma_wait3A_48 = arith.constant 0 : i32
      %dma_wait3A_49 = tpu.memref_slice %arg6[%dma_wait3A_47, %dma_wait3A_48] : memref<2x64xi32, #tpu.memory_space<vmem>> -> memref<1x64xi32, #tpu.memory_space<vmem>>
      %dma_wait3A_50 = tpu.memref_squeeze %dma_wait3A_49 : memref<1x64xi32, #tpu.memory_space<vmem>> -> memref<64xi32, #tpu.memory_space<vmem>>
      %dma_wait3A_51 = arith.constant 0 : i32
      %dma_wait3A_52 = arith.constant 0 : i32
      %dma_wait3A_53 = tpu.memref_slice %arg2[%dma_wait3A_51, %dma_wait3A_52] : memref<10000x128xf32, #tpu.memory_space<hbm>> -> memref<10000x128xf32, #tpu.memory_space<hbm>>
      tpu.wait_indirect_dma semaphore(%arg11 : memref<!tpu.dma_semaphore, #tpu.memory_space<semaphore_mem>>) src(%dma_wait3A_53 : memref<10000x128xf32, #tpu.memory_space<hbm>>) dst(%arg8 : memref<64x128xf32, #tpu.memory_space<vmem>>)
      %gt3A = arith.constant 0 : i32
      %gt3A_54 = arith.cmpi sgt, %add3A_46, %gt3A : i32
      %convert_element_type3A = arith.extui %gt3A_54 : i1 to i32
      %cond3A = arith.constant 0 : i32
      %cond3A_55 = arith.cmpi ne, %convert_element_type3A, %cond3A : i32
      scf.if %cond3A_55 {
        %dma_wait3A_104 = arith.constant 1 : i32
        %dma_wait3A_105 = arith.constant 0 : i32
        %dma_wait3A_106 = tpu.memref_slice %arg7[%dma_wait3A_104, %dma_wait3A_105] : memref<2x64xi32, #tpu.memory_space<vmem>> -> memref<1x64xi32, #tpu.memory_space<vmem>>
        %dma_wait3A_107 = tpu.memref_squeeze %dma_wait3A_106 : memref<1x64xi32, #tpu.memory_space<vmem>> -> memref<64xi32, #tpu.memory_space<vmem>>
        %dma_wait3A_108 = arith.constant 0 : i32
        %dma_wait3A_109 = arith.constant 0 : i32
        %dma_wait3A_110 = tpu.memref_slice %arg10[%dma_wait3A_108, %dma_wait3A_109] : memref<10240x128xf32, #tpu.memory_space<vmem_shared>> -> memref<10240x128xf32, #tpu.memory_space<vmem_shared>>
        tpu.wait_indirect_dma semaphore(%arg14 : memref<!tpu.dma_semaphore, #tpu.memory_space<semaphore_mem>>) src(%arg9 : memref<64x128xf32, #tpu.memory_space<vmem>>) dst(%dma_wait3A_110 : memref<10240x128xf32, #tpu.memory_space<vmem_shared>>)
      } else {
      }
      %add3A_56 = arith.constant 1 : i32
      %add3A_57 = arith.addi %add3A_46, %add3A_56 : i32
      %scan3A_58 = arith.constant 0 : i32
      %scan3A_59 = arith.constant 4 : i32
      %scan3A_60 = arith.addi %scan3A_58, %scan3A_59 : i32
      %scan3A_61 = arith.constant 1 : i32
      scf.for %scan3A_104 = %scan3A_58 to %scan3A_60 step %scan3A_61  : i32 {
        %mul3A_105 = arith.constant 16 : i32
        %mul3A_106 = arith.muli %scan3A_104, %mul3A_105 : i32
        %add3A_107 = arith.constant 0 : i32
        %add3A_108 = arith.addi %add3A_107, %mul3A_106 : i32
        %get3A = arith.index_cast %add3A_57 : i32 to index
        %get3A_109 = arith.index_cast %add3A_108 : i32 to index
        %get3A_110 = tpu.vector_load %arg5[%get3A, %get3A_109] {strides = array<i32>} : memref<160x64xi32, #tpu.memory_space<vmem>>, vector<1x16xi32>,
        %get3A_111 = vector.shape_cast %get3A_110 : vector<1x16xi32> to vector<16xi32>
        %and3A = arith.andi %get3A_111, %broadcast_in_dim3A_1 : vector<16xi32>
        %swap3A = arith.constant 1 : i32
        %swap3A_112 = arith.index_cast %swap3A : i32 to index
        %swap3A_113 = arith.index_cast %add3A_108 : i32 to index
        %swap3A_114 = tpu.vector_load %arg6[%swap3A_112, %swap3A_113] {strides = array<i32>} : memref<2x64xi32, #tpu.memory_space<vmem>>, vector<1x16xi32>,
        %swap3A_115 = vector.shape_cast %swap3A_114 : vector<1x16xi32> to vector<16xi32>
        %swap3A_116 = vector.shape_cast %and3A : vector<16xi32> to vector<1x16xi32>
        tpu.vector_store %arg6[%swap3A_112, %swap3A_113], %swap3A_116 {strides = array<i32>} : memref<2x64xi32, #tpu.memory_space<vmem>>, vector<1x16xi32>,
        %shift_right_logical3A = arith.shrui %get3A_111, %broadcast_in_dim3A_3 : vector<16xi32>
        %swap3A_117 = arith.constant 1 : i32
        %swap3A_118 = arith.index_cast %swap3A_117 : i32 to index
        %swap3A_119 = arith.index_cast %add3A_108 : i32 to index
        %swap3A_120 = tpu.vector_load %arg7[%swap3A_118, %swap3A_119] {strides = array<i32>} : memref<2x64xi32, #tpu.memory_space<vmem>>, vector<1x16xi32>,
        %swap3A_121 = vector.shape_cast %swap3A_120 : vector<1x16xi32> to vector<16xi32>
        %swap3A_122 = vector.shape_cast %shift_right_logical3A : vector<16xi32> to vector<1x16xi32>
        tpu.vector_store %arg7[%swap3A_118, %swap3A_119], %swap3A_122 {strides = array<i32>} : memref<2x64xi32, #tpu.memory_space<vmem>>, vector<1x16xi32>,
      }
      %scan3A_62 = arith.constant 4 : i32
      %dma_start3A_63 = arith.constant 1 : i32
      %dma_start3A_64 = arith.constant 0 : i32
      %dma_start3A_65 = tpu.memref_slice %arg6[%dma_start3A_63, %dma_start3A_64] : memref<2x64xi32, #tpu.memory_space<vmem>> -> memref<1x64xi32, #tpu.memory_space<vmem>>
      %dma_start3A_66 = tpu.memref_squeeze %dma_start3A_65 : memref<1x64xi32, #tpu.memory_space<vmem>> -> memref<64xi32, #tpu.memory_space<vmem>>
      %dma_start3A_67 = arith.constant 0 : i32
      %dma_start3A_68 = arith.constant 0 : i32
      %dma_start3A_69 = tpu.memref_slice %arg2[%dma_start3A_67, %dma_start3A_68] : memref<10000x128xf32, #tpu.memory_space<hbm>> -> memref<10000x128xf32, #tpu.memory_space<hbm>>
      tpu.enqueue_indirect_dma source(%dma_start3A_69 : memref<10000x128xf32, #tpu.memory_space<hbm>>) target(%arg9 : memref<64x128xf32, #tpu.memory_space<vmem>>) offsets(%dma_start3A_66 : memref<64xi32, #tpu.memory_space<vmem>>) semaphore(%arg12 : memref<!tpu.dma_semaphore, #tpu.memory_space<semaphore_mem>>)
      %dma_start3A_70 = arith.constant 0 : i32
      %dma_start3A_71 = arith.constant 0 : i32
      %dma_start3A_72 = tpu.memref_slice %arg7[%dma_start3A_70, %dma_start3A_71] : memref<2x64xi32, #tpu.memory_space<vmem>> -> memref<1x64xi32, #tpu.memory_space<vmem>>
      %dma_start3A_73 = tpu.memref_squeeze %dma_start3A_72 : memref<1x64xi32, #tpu.memory_space<vmem>> -> memref<64xi32, #tpu.memory_space<vmem>>
      %dma_start3A_74 = arith.constant 0 : i32
      %dma_start3A_75 = arith.constant 0 : i32
      %dma_start3A_76 = tpu.memref_slice %arg10[%dma_start3A_74, %dma_start3A_75] : memref<10240x128xf32, #tpu.memory_space<vmem_shared>> -> memref<10240x128xf32, #tpu.memory_space<vmem_shared>>
      tpu.enqueue_indirect_dma source(%arg8 : memref<64x128xf32, #tpu.memory_space<vmem>>) target(%dma_start3A_76 : memref<10240x128xf32, #tpu.memory_space<vmem_shared>>) offsets(%dma_start3A_73 : memref<64xi32, #tpu.memory_space<vmem>>) semaphore(%arg13 : memref<!tpu.dma_semaphore, #tpu.memory_space<semaphore_mem>>) {add = true}
      %dma_wait3A_77 = arith.constant 1 : i32
      %dma_wait3A_78 = arith.constant 0 : i32
      %dma_wait3A_79 = tpu.memref_slice %arg6[%dma_wait3A_77, %dma_wait3A_78] : memref<2x64xi32, #tpu.memory_space<vmem>> -> memref<1x64xi32, #tpu.memory_space<vmem>>
      %dma_wait3A_80 = tpu.memref_squeeze %dma_wait3A_79 : memref<1x64xi32, #tpu.memory_space<vmem>> -> memref<64xi32, #tpu.memory_space<vmem>>
      %dma_wait3A_81 = arith.constant 0 : i32
      %dma_wait3A_82 = arith.constant 0 : i32
      %dma_wait3A_83 = tpu.memref_slice %arg2[%dma_wait3A_81, %dma_wait3A_82] : memref<10000x128xf32, #tpu.memory_space<hbm>> -> memref<10000x128xf32, #tpu.memory_space<hbm>>
      tpu.wait_indirect_dma semaphore(%arg12 : memref<!tpu.dma_semaphore, #tpu.memory_space<semaphore_mem>>) src(%dma_wait3A_83 : memref<10000x128xf32, #tpu.memory_space<hbm>>) dst(%arg9 : memref<64x128xf32, #tpu.memory_space<vmem>>)
      %dma_wait3A_84 = arith.constant 0 : i32
      %dma_wait3A_85 = arith.constant 0 : i32
      %dma_wait3A_86 = tpu.memref_slice %arg7[%dma_wait3A_84, %dma_wait3A_85] : memref<2x64xi32, #tpu.memory_space<vmem>> -> memref<1x64xi32, #tpu.memory_space<vmem>>
      %dma_wait3A_87 = tpu.memref_squeeze %dma_wait3A_86 : memref<1x64xi32, #tpu.memory_space<vmem>> -> memref<64xi32, #tpu.memory_space<vmem>>
      %dma_wait3A_88 = arith.constant 0 : i32
      %dma_wait3A_89 = arith.constant 0 : i32
      %dma_wait3A_90 = tpu.memref_slice %arg10[%dma_wait3A_88, %dma_wait3A_89] : memref<10240x128xf32, #tpu.memory_space<vmem_shared>> -> memref<10240x128xf32, #tpu.memory_space<vmem_shared>>
      tpu.wait_indirect_dma semaphore(%arg13 : memref<!tpu.dma_semaphore, #tpu.memory_space<semaphore_mem>>) src(%arg8 : memref<64x128xf32, #tpu.memory_space<vmem>>) dst(%dma_wait3A_90 : memref<10240x128xf32, #tpu.memory_space<vmem_shared>>)
      %add3A_91 = arith.constant 2 : i32
      %add3A_92 = arith.addi %add3A_46, %add3A_91 : i32
      %lt3A = arith.constant 160 : i32
      %lt3A_93 = arith.cmpi slt, %add3A_92, %lt3A : i32
      %convert_element_type3A_94 = arith.extui %lt3A_93 : i1 to i32
      %cond3A_95 = arith.constant 0 : i32
      %cond3A_96 = arith.cmpi ne, %convert_element_type3A_94, %cond3A_95 : i32
      scf.if %cond3A_96 {
        %add3A_104 = arith.constant 2 : i32
        %add3A_105 = arith.addi %add3A_46, %add3A_104 : i32
        %scan3A_106 = arith.constant 0 : i32
        %scan3A_107 = arith.constant 4 : i32
        %scan3A_108 = arith.addi %scan3A_106, %scan3A_107 : i32
        %scan3A_109 = arith.constant 1 : i32
        scf.for %scan3A_118 = %scan3A_106 to %scan3A_108 step %scan3A_109  : i32 {
          %mul3A_119 = arith.constant 16 : i32
          %mul3A_120 = arith.muli %scan3A_118, %mul3A_119 : i32
          %add3A_121 = arith.constant 0 : i32
          %add3A_122 = arith.addi %add3A_121, %mul3A_120 : i32
          %get3A = arith.index_cast %add3A_105 : i32 to index
          %get3A_123 = arith.index_cast %add3A_122 : i32 to index
          %get3A_124 = tpu.vector_load %arg5[%get3A, %get3A_123] {strides = array<i32>} : memref<160x64xi32, #tpu.memory_space<vmem>>, vector<1x16xi32>,
          %get3A_125 = vector.shape_cast %get3A_124 : vector<1x16xi32> to vector<16xi32>
          %and3A = arith.andi %get3A_125, %broadcast_in_dim3A_1 : vector<16xi32>
          %swap3A = arith.constant 0 : i32
          %swap3A_126 = arith.index_cast %swap3A : i32 to index
          %swap3A_127 = arith.index_cast %add3A_122 : i32 to index
          %swap3A_128 = tpu.vector_load %arg6[%swap3A_126, %swap3A_127] {strides = array<i32>} : memref<2x64xi32, #tpu.memory_space<vmem>>, vector<1x16xi32>,
          %swap3A_129 = vector.shape_cast %swap3A_128 : vector<1x16xi32> to vector<16xi32>
          %swap3A_130 = vector.shape_cast %and3A : vector<16xi32> to vector<1x16xi32>
          tpu.vector_store %arg6[%swap3A_126, %swap3A_127], %swap3A_130 {strides = array<i32>} : memref<2x64xi32, #tpu.memory_space<vmem>>, vector<1x16xi32>,
          %shift_right_logical3A = arith.shrui %get3A_125, %broadcast_in_dim3A_3 : vector<16xi32>
          %swap3A_131 = arith.constant 0 : i32
          %swap3A_132 = arith.index_cast %swap3A_131 : i32 to index
          %swap3A_133 = arith.index_cast %add3A_122 : i32 to index
          %swap3A_134 = tpu.vector_load %arg7[%swap3A_132, %swap3A_133] {strides = array<i32>} : memref<2x64xi32, #tpu.memory_space<vmem>>, vector<1x16xi32>,
          %swap3A_135 = vector.shape_cast %swap3A_134 : vector<1x16xi32> to vector<16xi32>
          %swap3A_136 = vector.shape_cast %shift_right_logical3A : vector<16xi32> to vector<1x16xi32>
          tpu.vector_store %arg7[%swap3A_132, %swap3A_133], %swap3A_136 {strides = array<i32>} : memref<2x64xi32, #tpu.memory_space<vmem>>, vector<1x16xi32>,
        }
        %scan3A_110 = arith.constant 4 : i32
        %dma_start3A_111 = arith.constant 0 : i32
        %dma_start3A_112 = arith.constant 0 : i32
        %dma_start3A_113 = tpu.memref_slice %arg6[%dma_start3A_111, %dma_start3A_112] : memref<2x64xi32, #tpu.memory_space<vmem>> -> memref<1x64xi32, #tpu.memory_space<vmem>>
        %dma_start3A_114 = tpu.memref_squeeze %dma_start3A_113 : memref<1x64xi32, #tpu.memory_space<vmem>> -> memref<64xi32, #tpu.memory_space<vmem>>
        %dma_start3A_115 = arith.constant 0 : i32
        %dma_start3A_116 = arith.constant 0 : i32
        %dma_start3A_117 = tpu.memref_slice %arg2[%dma_start3A_115, %dma_start3A_116] : memref<10000x128xf32, #tpu.memory_space<hbm>> -> memref<10000x128xf32, #tpu.memory_space<hbm>>
        tpu.enqueue_indirect_dma source(%dma_start3A_117 : memref<10000x128xf32, #tpu.memory_space<hbm>>) target(%arg8 : memref<64x128xf32, #tpu.memory_space<vmem>>) offsets(%dma_start3A_114 : memref<64xi32, #tpu.memory_space<vmem>>) semaphore(%arg11 : memref<!tpu.dma_semaphore, #tpu.memory_space<semaphore_mem>>)
      } else {
      }
      %dma_start3A_97 = arith.constant 1 : i32
      %dma_start3A_98 = arith.constant 0 : i32
      %dma_start3A_99 = tpu.memref_slice %arg7[%dma_start3A_97, %dma_start3A_98] : memref<2x64xi32, #tpu.memory_space<vmem>> -> memref<1x64xi32, #tpu.memory_space<vmem>>
      %dma_start3A_100 = tpu.memref_squeeze %dma_start3A_99 : memref<1x64xi32, #tpu.memory_space<vmem>> -> memref<64xi32, #tpu.memory_space<vmem>>
      %dma_start3A_101 = arith.constant 0 : i32
      %dma_start3A_102 = arith.constant 0 : i32
      %dma_start3A_103 = tpu.memref_slice %arg10[%dma_start3A_101, %dma_start3A_102] : memref<10240x128xf32, #tpu.memory_space<vmem_shared>> -> memref<10240x128xf32, #tpu.memory_space<vmem_shared>>
      tpu.enqueue_indirect_dma source(%arg9 : memref<64x128xf32, #tpu.memory_space<vmem>>) target(%dma_start3A_103 : memref<10240x128xf32, #tpu.memory_space<vmem_shared>>) offsets(%dma_start3A_100 : memref<64xi32, #tpu.memory_space<vmem>>) semaphore(%arg14 : memref<!tpu.dma_semaphore, #tpu.memory_space<semaphore_mem>>) {add = true}
    }
    %scan3A_30 = arith.constant 80 : i32
    %dma_wait3A = arith.constant 1 : i32
    %dma_wait3A_31 = arith.constant 0 : i32
    %dma_wait3A_32 = tpu.memref_slice %arg7[%dma_wait3A, %dma_wait3A_31] : memref<2x64xi32, #tpu.memory_space<vmem>> -> memref<1x64xi32, #tpu.memory_space<vmem>>
    %dma_wait3A_33 = tpu.memref_squeeze %dma_wait3A_32 : memref<1x64xi32, #tpu.memory_space<vmem>> -> memref<64xi32, #tpu.memory_space<vmem>>
    %dma_wait3A_34 = arith.constant 0 : i32
    %dma_wait3A_35 = arith.constant 0 : i32
    %dma_wait3A_36 = tpu.memref_slice %arg10[%dma_wait3A_34, %dma_wait3A_35] : memref<10240x128xf32, #tpu.memory_space<vmem_shared>> -> memref<10240x128xf32, #tpu.memory_space<vmem_shared>>
    tpu.wait_indirect_dma semaphore(%arg14 : memref<!tpu.dma_semaphore, #tpu.memory_space<semaphore_mem>>) src(%arg9 : memref<64x128xf32, #tpu.memory_space<vmem>>) dst(%dma_wait3A_36 : memref<10240x128xf32, #tpu.memory_space<vmem_shared>>)
    %barrier3A_37 = arith.constant 0 : index
    tpu.barrier barrier_id(%barrier3A_37)
    %mul3A_38 = arith.constant 640 : i32
    %mul3A_39 = arith.muli %arg1, %mul3A_38 : i32
    %mul3A_40 = arith.constant 640 : i32
    %mul3A_41 = arith.muli %arg1, %mul3A_40 : i32
    "tpu.region"() ({
      %run_scoped3A = tpu.sem_alloc : memref<!tpu.dma_semaphore, #tpu.memory_space<semaphore_mem>>
      %dma_start3A_42 = arith.constant 0 : i32
      %dma_start3A_43 = tpu.memref_slice %arg4[%arg0, %mul3A_41, %dma_start3A_42] : memref<2x10240x128xf32, #tpu.memory_space<hbm>> -> memref<1x640x128xf32, #tpu.memory_space<hbm>>
      %dma_start3A_44 = tpu.memref_squeeze %dma_start3A_43 : memref<1x640x128xf32, #tpu.memory_space<hbm>> -> memref<640x128xf32, #tpu.memory_space<hbm>>
      %dma_start3A_45 = arith.constant 0 : i32
      %dma_start3A_46 = tpu.memref_slice %arg10[%mul3A_39, %dma_start3A_45] : memref<10240x128xf32, #tpu.memory_space<vmem_shared>> -> memref<640x128xf32, #tpu.memory_space<vmem_shared>>
      tpu.enqueue_dma source(%dma_start3A_46 : memref<640x128xf32, #tpu.memory_space<vmem_shared>>) target(%dma_start3A_44 : memref<640x128xf32, #tpu.memory_space<hbm>>) target_semaphore(%run_scoped3A : memref<!tpu.dma_semaphore, #tpu.memory_space<semaphore_mem>>)
      %dma_wait3A_47 = arith.constant 0 : i32
      %dma_wait3A_48 = tpu.memref_slice %arg4[%arg0, %mul3A_41, %dma_wait3A_47] : memref<2x10240x128xf32, #tpu.memory_space<hbm>> -> memref<1x640x128xf32, #tpu.memory_space<hbm>>
      %dma_wait3A_49 = tpu.memref_squeeze %dma_wait3A_48 : memref<1x640x128xf32, #tpu.memory_space<hbm>> -> memref<640x128xf32, #tpu.memory_space<hbm>>
      %dma_wait3A_50 = arith.constant 0 : i32
      %dma_wait3A_51 = tpu.memref_slice %arg10[%mul3A_39, %dma_wait3A_50] : memref<10240x128xf32, #tpu.memory_space<vmem_shared>> -> memref<640x128xf32, #tpu.memory_space<vmem_shared>>
      tpu.wait_dma2 semaphore(%run_scoped3A : memref<!tpu.dma_semaphore, #tpu.memory_space<semaphore_mem>>) src(%dma_wait3A_51 : memref<640x128xf32, #tpu.memory_space<vmem_shared>>) dst(%dma_wait3A_49 : memref<640x128xf32, #tpu.memory_space<hbm>>)
      tpu.yield
    }) : () -> ()
    return
  }
}

module attributes {stable_mosaic.version = 14 : i64} {
  func.func @body(%arg0: i32, %arg1: memref<1000x128xf32, #tpu.memory_space<vmem>>, %arg2: memref<1000x32xf32, #tpu.memory_space<vmem>>, %arg3: memref<128x64xf32, #tpu.memory_space<vmem>>, %arg4: memref<32x64xf32, #tpu.memory_space<vmem>>, %arg5: memref<1000x64xf32, #tpu.memory_space<vmem>>) attributes {dimension_semantics = [#tpu.dimension_semantics<arbitrary>], iteration_bounds = array<i64: 10>, scalar_prefetch = 0 : i64, scratch_operands = 0 : i64, tpu.core_type = #tpu.core_type<tc>, window_params = [{transform_indices = @transform_0, window_bounds = array<i64: 1000, 128>}, {transform_indices = @transform_1, window_bounds = array<i64: 1000, 32>}, {pipeline_mode = #tpu.pipeline_mode<synchronous>, transform_indices = @transform_2, window_bounds = array<i64: 128, 64>}, {pipeline_mode = #tpu.pipeline_mode<synchronous>, transform_indices = @transform_3, window_bounds = array<i64: 32, 64>}, {transform_indices = @transform_4, window_bounds = array<i64: 1000, 64>}]} {
    %get3A = arith.constant 0 : index
    %get3A_0 = arith.constant 0 : index
    %get3A_1 = vector.load %arg1[%get3A, %get3A_0] : memref<1000x128xf32, #tpu.memory_space<vmem>>, vector<1000x128xf32>
    %get3A_2 = arith.constant 0 : index
    %get3A_3 = arith.constant 0 : index
    %get3A_4 = vector.load %arg3[%get3A_2, %get3A_3] : memref<128x64xf32, #tpu.memory_space<vmem>>, vector<128x64xf32>
    %dot_general3A = arith.constant dense<0.000000e+00> : vector<1000x64xf32>
    %dot_general3A_5 = tpu.matmul %get3A_1, %get3A_4, %dot_general3A {dimension_numbers = #tpu.dot_dimension_numbers<[1], [0], [0], [1], [0, 0, 1, 1], [], []>, transpose_lhs_hint = false} : vector<1000x128xf32>, vector<128x64xf32>, vector<1000x64xf32> -> vector<1000x64xf32>
    %get3A_6 = arith.constant 0 : index
    %get3A_7 = arith.constant 0 : index
    %get3A_8 = vector.load %arg2[%get3A_6, %get3A_7] : memref<1000x32xf32, #tpu.memory_space<vmem>>, vector<1000x32xf32>
    %get3A_9 = arith.constant 0 : index
    %get3A_10 = arith.constant 0 : index
    %get3A_11 = vector.load %arg4[%get3A_9, %get3A_10] : memref<32x64xf32, #tpu.memory_space<vmem>>, vector<32x64xf32>
    %dot_general3A_12 = arith.constant dense<0.000000e+00> : vector<1000x64xf32>
    %dot_general3A_13 = tpu.matmul %get3A_8, %get3A_11, %dot_general3A_12 {dimension_numbers = #tpu.dot_dimension_numbers<[1], [0], [0], [1], [0, 0, 1, 1], [], []>, transpose_lhs_hint = false} : vector<1000x32xf32>, vector<32x64xf32>, vector<1000x64xf32> -> vector<1000x64xf32>
    %add3A = arith.addf %dot_general3A_5, %dot_general3A_13 : vector<1000x64xf32>
    %swap3A = arith.constant 0 : index
    %swap3A_14 = arith.constant 0 : index
    %swap3A_15 = vector.load %arg5[%swap3A, %swap3A_14] : memref<1000x64xf32, #tpu.memory_space<vmem>>, vector<1000x64xf32>
    tpu.vector_store %arg5[%swap3A, %swap3A_14], %add3A {strides = array<i32>} : memref<1000x64xf32, #tpu.memory_space<vmem>>, vector<1000x64xf32>,
    return
  }
  func.func @transform_0(%arg0: i32) -> (i32, i32) {
    %c0_i32 = arith.constant 0 : i32
    %c0_i32_0 = arith.constant 0 : i32
    return %arg0, %c0_i32 : i32, i32
  }
  func.func @transform_1(%arg0: i32) -> (i32, i32) {
    %c0_i32 = arith.constant 0 : i32
    %c0_i32_0 = arith.constant 0 : i32
    return %arg0, %c0_i32 : i32, i32
  }
  func.func @transform_2(%arg0: i32) -> (i32, i32) {
    %c0_i32 = arith.constant 0 : i32
    %c0_i32_0 = arith.constant 0 : i32
    %c0_i32_1 = arith.constant 0 : i32
    return %c0_i32, %c0_i32_0 : i32, i32
  }
  func.func @transform_3(%arg0: i32) -> (i32, i32) {
    %c0_i32 = arith.constant 0 : i32
    %c0_i32_0 = arith.constant 0 : i32
    %c0_i32_1 = arith.constant 0 : i32
    return %c0_i32, %c0_i32_0 : i32, i32
  }
  func.func @transform_4(%arg0: i32) -> (i32, i32) {
    %c0_i32 = arith.constant 0 : i32
    %c0_i32_0 = arith.constant 0 : i32
    return %arg0, %c0_i32 : i32, i32
  }
}

module attributes {stable_mosaic.version = 14 : i64} {
  func.func @body(%arg0: i32, %arg1: memref<1000x64xf32, #tpu.memory_space<vmem>>, %arg2: memref<1000x64xf32, #tpu.memory_space<vmem>>, %arg3: memref<1000x128xf32, #tpu.memory_space<vmem>>, %arg4: memref<1000x128xf32, #tpu.memory_space<vmem>>, %arg5: memref<16x64xf32, #tpu.memory_space<vmem>>, %arg6: memref<1x64xf32, #tpu.memory_space<vmem>>, %arg7: memref<1x1xf32, #tpu.memory_space<vmem>>, %arg8: memref<4x64xf32, #tpu.memory_space<vmem>>) attributes {dimension_semantics = [#tpu.dimension_semantics<arbitrary>], iteration_bounds = array<i64: 10>, scalar_prefetch = 0 : i64, scratch_operands = 0 : i64, tpu.core_type = #tpu.core_type<tc>, window_params = [{transform_indices = @transform_0, window_bounds = array<i64: 1000, 64>}, {transform_indices = @transform_1, window_bounds = array<i64: 1000, 64>}, {transform_indices = @transform_2, window_bounds = array<i64: 1000, 128>}, {transform_indices = @transform_3, window_bounds = array<i64: 1000, 128>}, {pipeline_mode = #tpu.pipeline_mode<synchronous>, transform_indices = @transform_4, window_bounds = array<i64: 16, 64>}, {pipeline_mode = #tpu.pipeline_mode<synchronous>, transform_indices = @transform_5, window_bounds = array<i64: 1, 64>}, {pipeline_mode = #tpu.pipeline_mode<synchronous>, transform_indices = @transform_6, window_bounds = array<i64: 1, 1>}, {pipeline_mode = #tpu.pipeline_mode<synchronous>, transform_indices = @transform_7, window_bounds = array<i64: 4, 64>}]} {
    %get3A = arith.constant 0 : index
    %get3A_0 = arith.constant 0 : index
    %get3A_1 = vector.load %arg7[%get3A, %get3A_0] : memref<1x1xf32, #tpu.memory_space<vmem>>, vector<1x1xf32>
    %get3A_2 = vector.extract %get3A_1[0, 0] : f32 from vector<1x1xf32>
    %get3A_3 = arith.constant 0 : index
    %get3A_4 = arith.constant 0 : index
    %get3A_5 = vector.load %arg3[%get3A_3, %get3A_4] : memref<1000x128xf32, #tpu.memory_space<vmem>>, vector<1000x64xf32>
    %get3A_6 = arith.constant 0 : index
    %get3A_7 = arith.constant 0 : index
    %get3A_8 = vector.load %arg4[%get3A_6, %get3A_7] : memref<1000x128xf32, #tpu.memory_space<vmem>>, vector<1000x64xf32>
    %add3A = arith.addf %get3A_5, %get3A_8 : vector<1000x64xf32>
    %get3A_9 = arith.constant 0 : index
    %get3A_10 = arith.constant 64 : index
    %get3A_11 = vector.load %arg3[%get3A_9, %get3A_10] : memref<1000x128xf32, #tpu.memory_space<vmem>>, vector<1000x64xf32>
    %get3A_12 = arith.constant 0 : index
    %get3A_13 = arith.constant 64 : index
    %get3A_14 = vector.load %arg4[%get3A_12, %get3A_13] : memref<1000x128xf32, #tpu.memory_space<vmem>>, vector<1000x64xf32>
    %add3A_15 = arith.addf %get3A_11, %get3A_14 : vector<1000x64xf32>
    %get3A_16 = arith.constant 0 : index
    %get3A_17 = arith.constant 0 : index
    %get3A_18 = vector.load %arg1[%get3A_16, %get3A_17] : memref<1000x64xf32, #tpu.memory_space<vmem>>, vector<1000x64xf32>
    %mul3A = vector.broadcast %get3A_2 : f32 to vector<1000x64xf32>
    %mul3A_19 = arith.mulf %mul3A, %get3A_18 : vector<1000x64xf32>
    %add3A_20 = arith.addf %mul3A_19, %add3A : vector<1000x64xf32>
    %get3A_21 = arith.constant 0 : index
    %get3A_22 = arith.constant 0 : index
    %get3A_23 = vector.load %arg6[%get3A_21, %get3A_22] : memref<1x64xf32, #tpu.memory_space<vmem>>, vector<1x64xf32>
    %add3A_24 = vector.broadcast %get3A_23 : vector<1x64xf32> to vector<1000x64xf32>
    %add3A_25 = arith.addf %add3A_20, %add3A_24 : vector<1000x64xf32>
    %get3A_26 = arith.constant 0 : index
    %get3A_27 = arith.constant 0 : index
    %get3A_28 = vector.load %arg2[%get3A_26, %get3A_27] : memref<1000x64xf32, #tpu.memory_space<vmem>>, vector<1000x64xf32>
    %mul3A_29 = vector.broadcast %get3A_2 : f32 to vector<1000x64xf32>
    %mul3A_30 = arith.mulf %mul3A_29, %get3A_28 : vector<1000x64xf32>
    %add3A_31 = arith.addf %mul3A_30, %add3A_15 : vector<1000x64xf32>
    %slice3A = vector.extract_strided_slice %add3A_31 {offsets = [0, 0], sizes = [1000, 16], strides = [1, 1]} : vector<1000x64xf32> to vector<1000x16xf32>
    %get3A_32 = arith.constant 0 : index
    %get3A_33 = arith.constant 0 : index
    %get3A_34 = vector.load %arg5[%get3A_32, %get3A_33] : memref<16x64xf32, #tpu.memory_space<vmem>>, vector<16x64xf32>
    %dot_general3A = arith.constant dense<0.000000e+00> : vector<1000x64xf32>
    %dot_general3A_35 = tpu.matmul %slice3A, %get3A_34, %dot_general3A {dimension_numbers = #tpu.dot_dimension_numbers<[1], [0], [0], [1], [0, 0, 1, 1], [], []>, transpose_lhs_hint = false} : vector<1000x16xf32>, vector<16x64xf32>, vector<1000x64xf32> -> vector<1000x64xf32>
    %add3A_36 = arith.addf %add3A_25, %dot_general3A_35 : vector<1000x64xf32>
    %max3A = arith.constant 0.000000e+00 : f32
    %max3A_37 = vector.broadcast %max3A : f32 to vector<1000x64xf32>
    %max3A_38 = arith.maximumf %add3A_36, %max3A_37 : vector<1000x64xf32>
    %reduce_sum3A = arith.constant dense<0.000000e+00> : vector<64xf32>
    %reduce_sum3A_39 = vector.multi_reduction <add>, %max3A_38, %reduce_sum3A [0] : vector<1000x64xf32> to vector<64xf32>
    %slice3A_40 = vector.extract_strided_slice %add3A_31 {offsets = [0, 16], sizes = [1000, 16], strides = [1, 1]} : vector<1000x64xf32> to vector<1000x16xf32>
    %get3A_41 = arith.constant 0 : index
    %get3A_42 = arith.constant 0 : index
    %get3A_43 = vector.load %arg5[%get3A_41, %get3A_42] : memref<16x64xf32, #tpu.memory_space<vmem>>, vector<16x64xf32>
    %dot_general3A_44 = arith.constant dense<0.000000e+00> : vector<1000x64xf32>
    %dot_general3A_45 = tpu.matmul %slice3A_40, %get3A_43, %dot_general3A_44 {dimension_numbers = #tpu.dot_dimension_numbers<[1], [0], [0], [1], [0, 0, 1, 1], [], []>, transpose_lhs_hint = false} : vector<1000x16xf32>, vector<16x64xf32>, vector<1000x64xf32> -> vector<1000x64xf32>
    %add3A_46 = arith.addf %add3A_25, %dot_general3A_45 : vector<1000x64xf32>
    %max3A_47 = arith.constant 0.000000e+00 : f32
    %max3A_48 = vector.broadcast %max3A_47 : f32 to vector<1000x64xf32>
    %max3A_49 = arith.maximumf %add3A_46, %max3A_48 : vector<1000x64xf32>
    %reduce_sum3A_50 = arith.constant dense<0.000000e+00> : vector<64xf32>
    %reduce_sum3A_51 = vector.multi_reduction <add>, %max3A_49, %reduce_sum3A_50 [0] : vector<1000x64xf32> to vector<64xf32>
    %slice3A_52 = vector.extract_strided_slice %add3A_31 {offsets = [0, 32], sizes = [1000, 16], strides = [1, 1]} : vector<1000x64xf32> to vector<1000x16xf32>
    %get3A_53 = arith.constant 0 : index
    %get3A_54 = arith.constant 0 : index
    %get3A_55 = vector.load %arg5[%get3A_53, %get3A_54] : memref<16x64xf32, #tpu.memory_space<vmem>>, vector<16x64xf32>
    %dot_general3A_56 = arith.constant dense<0.000000e+00> : vector<1000x64xf32>
    %dot_general3A_57 = tpu.matmul %slice3A_52, %get3A_55, %dot_general3A_56 {dimension_numbers = #tpu.dot_dimension_numbers<[1], [0], [0], [1], [0, 0, 1, 1], [], []>, transpose_lhs_hint = false} : vector<1000x16xf32>, vector<16x64xf32>, vector<1000x64xf32> -> vector<1000x64xf32>
    %add3A_58 = arith.addf %add3A_25, %dot_general3A_57 : vector<1000x64xf32>
    %max3A_59 = arith.constant 0.000000e+00 : f32
    %max3A_60 = vector.broadcast %max3A_59 : f32 to vector<1000x64xf32>
    %max3A_61 = arith.maximumf %add3A_58, %max3A_60 : vector<1000x64xf32>
    %reduce_sum3A_62 = arith.constant dense<0.000000e+00> : vector<64xf32>
    %reduce_sum3A_63 = vector.multi_reduction <add>, %max3A_61, %reduce_sum3A_62 [0] : vector<1000x64xf32> to vector<64xf32>
    %slice3A_64 = vector.extract_strided_slice %add3A_31 {offsets = [0, 48], sizes = [1000, 16], strides = [1, 1]} : vector<1000x64xf32> to vector<1000x16xf32>
    %get3A_65 = arith.constant 0 : index
    %get3A_66 = arith.constant 0 : index
    %get3A_67 = vector.load %arg5[%get3A_65, %get3A_66] : memref<16x64xf32, #tpu.memory_space<vmem>>, vector<16x64xf32>
    %dot_general3A_68 = arith.constant dense<0.000000e+00> : vector<1000x64xf32>
    %dot_general3A_69 = tpu.matmul %slice3A_64, %get3A_67, %dot_general3A_68 {dimension_numbers = #tpu.dot_dimension_numbers<[1], [0], [0], [1], [0, 0, 1, 1], [], []>, transpose_lhs_hint = false} : vector<1000x16xf32>, vector<16x64xf32>, vector<1000x64xf32> -> vector<1000x64xf32>
    %add3A_70 = arith.addf %add3A_25, %dot_general3A_69 : vector<1000x64xf32>
    %max3A_71 = arith.constant 0.000000e+00 : f32
    %max3A_72 = vector.broadcast %max3A_71 : f32 to vector<1000x64xf32>
    %max3A_73 = arith.maximumf %add3A_70, %max3A_72 : vector<1000x64xf32>
    %reduce_sum3A_74 = arith.constant dense<0.000000e+00> : vector<64xf32>
    %reduce_sum3A_75 = vector.multi_reduction <add>, %max3A_73, %reduce_sum3A_74 [0] : vector<1000x64xf32> to vector<64xf32>
    %stack3A = vector.shape_cast %reduce_sum3A_39 : vector<64xf32> to vector<1x64xf32>
    %stack3A_76 = vector.shape_cast %reduce_sum3A_51 : vector<64xf32> to vector<1x64xf32>
    %stack3A_77 = vector.shape_cast %reduce_sum3A_63 : vector<64xf32> to vector<1x64xf32>
    %stack3A_78 = vector.shape_cast %reduce_sum3A_75 : vector<64xf32> to vector<1x64xf32>
    %stack3A_79 = tpu.concatenate %stack3A, %stack3A_76, %stack3A_77, %stack3A_78 in 0 : vector<1x64xf32>, vector<1x64xf32>, vector<1x64xf32>, vector<1x64xf32> -> vector<4x64xf32>
    %eq3A = arith.constant 0 : i32
    %eq3A_80 = arith.cmpi eq, %arg0, %eq3A : i32
    %convert_element_type3A = arith.extui %eq3A_80 : i1 to i32
    %cond3A = arith.constant 0 : i32
    %cond3A_81 = arith.cmpi ne, %convert_element_type3A, %cond3A : i32
    scf.if %cond3A_81 {
      %broadcast_in_dim3A = arith.constant 0.000000e+00 : f32
      %broadcast_in_dim3A_88 = vector.broadcast %broadcast_in_dim3A : f32 to vector<4x64xf32>
      %swap3A_89 = arith.constant 0 : index
      %swap3A_90 = arith.constant 0 : index
      %swap3A_91 = vector.load %arg8[%swap3A_89, %swap3A_90] : memref<4x64xf32, #tpu.memory_space<vmem>>, vector<4x64xf32>
      tpu.vector_store %arg8[%swap3A_89, %swap3A_90], %broadcast_in_dim3A_88 {strides = array<i32>} : memref<4x64xf32, #tpu.memory_space<vmem>>, vector<4x64xf32>,
    } else {
    }
    %get3A_82 = arith.constant 0 : index
    %get3A_83 = arith.constant 0 : index
    %get3A_84 = vector.load %arg8[%get3A_82, %get3A_83] : memref<4x64xf32, #tpu.memory_space<vmem>>, vector<4x64xf32>
    %add3A_85 = arith.addf %get3A_84, %stack3A_79 : vector<4x64xf32>
    %swap3A = arith.constant 0 : index
    %swap3A_86 = arith.constant 0 : index
    %swap3A_87 = vector.load %arg8[%swap3A, %swap3A_86] : memref<4x64xf32, #tpu.memory_space<vmem>>, vector<4x64xf32>
    tpu.vector_store %arg8[%swap3A, %swap3A_86], %add3A_85 {strides = array<i32>} : memref<4x64xf32, #tpu.memory_space<vmem>>, vector<4x64xf32>,
    return
  }
  func.func @transform_0(%arg0: i32) -> (i32, i32) {
    %c0_i32 = arith.constant 0 : i32
    %c0_i32_0 = arith.constant 0 : i32
    return %arg0, %c0_i32 : i32, i32
  }
  func.func @transform_1(%arg0: i32) -> (i32, i32) {
    %c0_i32 = arith.constant 0 : i32
    %c0_i32_0 = arith.constant 0 : i32
    return %arg0, %c0_i32 : i32, i32
  }
  func.func @transform_2(%arg0: i32) -> (i32, i32) {
    %c0_i32 = arith.constant 0 : i32
    %c0_i32_0 = arith.constant 0 : i32
    return %arg0, %c0_i32 : i32, i32
  }
  func.func @transform_3(%arg0: i32) -> (i32, i32) {
    %c0_i32 = arith.constant 0 : i32
    %c0_i32_0 = arith.constant 0 : i32
    return %arg0, %c0_i32 : i32, i32
  }
  func.func @transform_4(%arg0: i32) -> (i32, i32) {
    %c0_i32 = arith.constant 0 : i32
    %c0_i32_0 = arith.constant 0 : i32
    %c0_i32_1 = arith.constant 0 : i32
    return %c0_i32, %c0_i32_0 : i32, i32
  }
  func.func @transform_5(%arg0: i32) -> (i32, i32) {
    %c0_i32 = arith.constant 0 : i32
    %c0_i32_0 = arith.constant 0 : i32
    %c0_i32_1 = arith.constant 0 : i32
    return %c0_i32, %c0_i32_0 : i32, i32
  }
  func.func @transform_6(%arg0: i32) -> (i32, i32) {
    %c0_i32 = arith.constant 0 : i32
    %c0_i32_0 = arith.constant 0 : i32
    %c0_i32_1 = arith.constant 0 : i32
    return %c0_i32, %c0_i32_0 : i32, i32
  }
  func.func @transform_7(%arg0: i32) -> (i32, i32) {
    %c0_i32 = arith.constant 0 : i32
    %c0_i32_0 = arith.constant 0 : i32
    %c0_i32_1 = arith.constant 0 : i32
    return %c0_i32, %c0_i32_0 : i32, i32
  }
}

</mosaic_0001>

<sc_bundles>
// kernel: kernel.5.cloned.1.call-start
scs
__scs_entry_jumppad:
0x0: {  	(pc) =	sbr.rel $0x88, $3  }
0x1: {  	(tag) =	ssettag $0x0;
	lr =	simm.s32 $0x1  }
0x2: {  	[smem:$0x3F9B] =	sst lr;
	_ =	strace $0xD0000000  }
0x3: {  	_ = 	snop  }
0x4: {  	_ = 	snop  }
0x5: {  	_ = 	snop  }
0x6: {  	_ = 	snop  }
0x7: {  	_ = 	snop  }
__scs_overlays_trampoline_lowered:
0x8: {  	[smem:$0x3FAA] =	sst s0  }
0x9: {  	[smem:$0x3FAB] =	sst s1  }
0xa: {  	[smem:$0x3FAC] =	sst s2  }
0xb: {  	[smem:$0x3FAD] =	sst s3  }
0xc: {  	[smem:$0x3FAE] =	sst s4  }
0xd: {  	[smem:$0x3FAF] =	sst s5  }
0xe: {  	[smem:$0x3FB0] =	sst s6  }
0xf: {  	[smem:$0x3FB1] =	sst s7  }
0x10: {  	[smem:$0x3FB2] =	sst s8  }
0x11: {  	[smem:$0x3FB3] =	sst s9;
	s0 =	simm.s32 @!p0 $0x0  }
0x12: {  	s1 =	sld [smem:$0x3F99];
	s0 =	simm.s32 @p0 $0x1  }
0x13: {  	[smem:$0x3FB4] =	sst s0;
	s0 =	simm.s32 @!p1 $0x0  }
0x14: {  	s2 =	sld [smem:$0x3F98];
	s0 =	simm.s32 @p1 $0x1  }
0x15: {  	[smem:$0x3FB5] =	sst s0;
	s0 =	simm.s32 @!p2 $0x0  }
0x16: {  	s3 =	sld [smem:$0x3FDB];
	s0 =	simm.s32 @p2 $0x1  }
0x17: {  	s4 =	simm.s32 $0x1BF5;
	[smem:$0x3FB7] =	sst s0  }
0x18: {  	s0 =	sld [smem:$0x3F9A];
	_ =	swait.ge [sflag:s4], $0x0  }
0x19: {  	s7 =	sld [smem:$0x3F9B]  }
0x1a: {  	s8 =	sadd.s32 $0xFFFFE003, lr  }
0x1b: {  	s9 =	sadd.s32 $0xFFFFFEF7, lr;
	s5 =	simm.s32 $0xFFFFFFFF;
	p2 =	slt.u32 s8, $0xFFFFF086  }
0x1c: {  	p1 =	slt.u32 s9, $0xF7A;
	s5 =	simm.s32 @!p2 $0x0  }
0x1d: {  	s5 =	simm.s32 @p1 $0x1;
	p0 =	seq.s32 s7, s2  }
0x1e: {  	s7 =	smul.u32 @!p0 $0xF7A, s2;
	p2 =	seq.s32 @!p0 s5, $0x0  }
0x1f: {  	s9 =	smul.u32 $0xF7A, s1;
	s8 =	simm.s32 @!p0 $0x1BF5;
	p2 =	por !p2, p0  }
0x20: {  	[sflag:s8] =	ssyncset.s32 @!p0 $0xFFFFF086;
	s6 =	sadd.s32 @!p0 s3, s7;
	s7 =	simm.s32 @!p0 $0x108  }
0x21: {  	s3 =	sadd.s32 s3, s9;
	s6 =	sadd.s32 @!p0 $0x88, s6;
	s7 =	simm.s32 @p2 $0x1082  }
0x22: {  	[simem:s7], [sflag:s8] =	dma.local @!p0 [hbm:s6], $0xF7A  }
0x23: {  	s9 =	sor.u32 $0xD0000000, s2;
	s6 =	simm.s32 $0x108;
	_ =	swait.ge @!p0 [sflag:s8], $0x0  }
0x24: {  	s3 =	sadd.s32 $0x88, s3;
	s6 =	simm.s32 @!p1 $0x1082;
	[sflag:s4] =	ssyncset.s32 $0xFFFFF086  }
0x25: {  	[simem:s6], [sflag:s4] =	dma.local [hbm:s3], $0xF7A  }
0x26: {  	[smem:$0x3F9B] =	sst s1;
	(tag) =	ssettag s2;
	_ =	strace s9  }
0x27: {  	s1 =	sld [smem:$0x3FAB]  }
0x28: {  	s2 =	sld [smem:$0x3FAC]  }
0x29: {  	s4 =	sld [smem:$0x3FAE]  }
0x2a: {  	p0 =	seq.s32 s5, $0x0;
	s5 =	sld [smem:$0x3FAF]  }
0x2b: {  	s6 =	sld [smem:$0x3FB0]  }
0x2c: {  	s7 =	sld [smem:$0x3FB1]  }
0x2d: {  	s3 =	simm.s32 $0x108;
	s8 =	sld [smem:$0x3FB2]  }
0x2e: {  	s3 =	simm.s32 @!p0 $0x1082;
	s9 =	sld [smem:$0x3FB3]  }
0x2f: {  	lr =	sadd.s32 s0, s3;
	s0 =	sld [smem:$0x3FAA]  }
0x30: {  	s3 =	sld [smem:$0x3FAD]  }
0x31: {  	[smem:$0x3FB6] =	sst s10  }
0x32: {  	s10 =	sld [smem:$0x3FB4];
	_ =	sdelay $0x3  }
0x33: {  	p0 =	seq.s32 s10, $0x1;
	s10 =	sld [smem:$0x3FB6];
	_ =	sdelay $0x3  }
0x34: {  	[smem:$0x3FB6] =	sst s10  }
0x35: {  	s10 =	sld [smem:$0x3FB5];
	_ =	sdelay $0x3  }
0x36: {  	p1 =	seq.s32 s10, $0x1;
	s10 =	sld [smem:$0x3FB6];
	_ =	sdelay $0x3  }
0x37: {  	[smem:$0x3FB6] =	sst s10  }
0x38: {  	s10 =	sld [smem:$0x3FB7]  }
0x39: {  	_ = 	snop;
	(pc) =	sbr.ind lr, $3  }
0x3a: {  	_ = 	snop  }
0x3b: {  	_ = 	snop  }
0x3c: {  	p2 =	seq.s32 s10, $0x1;
	s10 =	sld [smem:$0x3FB6]  }
0x3d: {  	_ =	shalt  }
0x3e: {  	_ =	shalt  }
0x3f: {  	_ =	shalt  }
0x40: {  	_ =	shalt  }
0x41: {  	_ =	shalt  }
0x42: {  	_ =	shalt  }
0x43: {  	_ =	shalt  }
0x44: {  	_ =	shalt  }
0x45: {  	_ =	shalt  }
0x46: {  	_ =	shalt  }
0x47: {  	_ =	shalt  }
0x48: {  	_ =	shalt  }
0x49: {  	_ =	shalt  }
0x4a: {  	_ =	shalt  }
0x4b: {  	_ =	shalt  }
0x4c: {  	_ =	shalt  }
0x4d: {  	_ =	shalt  }
0x4e: {  	_ =	shalt  }
0x4f: {  	_ =	shalt  }
0x50: {  	_ =	shalt  }
0x51: {  	_ =	shalt  }
0x52: {  	_ =	shalt  }
0x53: {  	_ =	shalt  }
0x54: {  	_ =	shalt  }
0x55: {  	_ =	shalt  }
0x56: {  	_ =	shalt  }
0x57: {  	_ =	shalt  }
0x58: {  	_ =	shalt  }
0x59: {  	_ =	shalt  }
0x5a: {  	_ =	shalt  }
0x5b: {  	_ =	shalt  }
0x5c: {  	_ =	shalt  }
0x5d: {  	_ =	shalt  }
0x5e: {  	_ =	shalt  }
0x5f: {  	_ =	shalt  }
0x60: {  	_ =	shalt  }
0x61: {  	_ =	shalt  }
0x62: {  	_ =	shalt  }
0x63: {  	_ =	shalt  }
0x64: {  	_ =	shalt  }
0x65: {  	_ =	shalt  }
0x66: {  	_ =	shalt  }
0x67: {  	_ =	shalt  }
0x68: {  	_ =	shalt  }
0x69: {  	_ =	shalt  }
0x6a: {  	_ =	shalt  }
0x6b: {  	_ =	shalt  }
0x6c: {  	_ =	shalt  }
0x6d: {  	_ =	shalt  }
0x6e: {  	_ =	shalt  }
0x6f: {  	_ =	shalt  }
0x70: {  	_ =	shalt  }
0x71: {  	_ =	shalt  }
0x72: {  	_ =	shalt  }
0x73: {  	_ =	shalt  }
0x74: {  	_ =	shalt  }
0x75: {  	_ =	shalt  }
0x76: {  	_ =	shalt  }
0x77: {  	_ =	shalt  }
0x78: {  	_ =	shalt  }
0x79: {  	_ =	shalt  }
0x7a: {  	_ =	shalt  }
0x7b: {  	_ =	shalt  }
0x7c: {  	_ =	shalt  }
0x7d: {  	_ =	shalt  }
0x7e: {  	_ =	shalt  }
0x7f: {  	_ =	shalt  }
0x80: {  	_ =	shalt  }
0x81: {  	_ =	shalt  }
0x82: {  	_ =	shalt  }
0x83: {  	_ =	shalt  }
0x84: {  	_ =	shalt  }
0x85: {  	_ =	shalt  }
0x86: {  	_ =	shalt  }
0x87: {  	_ =	shalt  }
.Lfunc_end0:
.L_simem_size_0:
called_computation_lowered:
.L_overlay_start_0:
0x88: {  	s2 =	sld [smem:$0x3FD9]  }
0x89: {  	s3 =	sld [smem:$0x3FFE];
	_ =	sdelay $0x1  }
0x8a: {  	s1 =	srdreg.scid  }
0x8b: {  	s0 =	sand.u32 $0x1, s1  }
0x8c: {  	s14 =	sshll.u32 s0, $0xA;
	s2 =	sadd.s32 s3, s2  }
0x8d: {  	s2 =	sadd.s32 s2, s14  }
0x8e: {  	[smem:$0x3FC2] =	sst s2  }
0x8f: {  	_ = 	snop  }
0x90: {  	s2 =	sld [smem:$0x3FD0];
	_ =	sdelay $0x2  }
0x91: {  	s15 =	simm.s32 $0xA;
	s4 =	simm.s32 $0x10  }
0x92: {  	[smem:s4], [sflag:s15] =	dma.local [hbm:s2], $0x1  }
0x93: {  	_ =	swait.eq [sflag:s15], $0x1  }
0x94: {  	[sflag:s15] =	ssyncset.done $0x0  }
0x95: {  	[sflag:s15] =	ssyncadd.s32 $0xFFFFFFFF  }
0x96: {  	s16 =	sld [smem:$0x10];
	(tm) =	ssettm $0x1  }
0x97: {  	s17 =	sld [smem:$0x3FFB];
	_ =	sdelay $0x3  }
0x98: {  	_ =	strace s17  }
0x99: {  	s3 =	sld [smem:$0x3FFC];
	_ =	sdelay $0x3  }
0x9a: {  	_ =	strace s3  }
0x9b: {  	s3 =	sld [smem:$0x3FFD];
	_ =	sdelay $0x3  }
0x9c: {  	_ =	strace s3  }
0x9d: {  	_ =	strace $0x8FFFFFFF  }
0x9e: {  	s18 =	sld [smem:$0x3FDB];
	_ =	sdelay $0x1  }
0x9f: {  	s19 =	simm.s32 $_scs_section_size  }
0xa0: {  	s5 =	simm.s32 $_size__tile_overlayer_lowered;
	s6 =	simm.s32 $_tile_overlayer_lowered  }
0xa1: {  	s22 =	simm.s32 $0x1BFF;
	s21 =	sshll.u32 s6, $0x1;
	s3 =	sadd.s32 s19, s18  }
0xa2: {  	s7 =	simm.s32 $0x0;
	s20 =	sshll.u32 s5, $0x1;
	s5 =	sadd.s32 s21, s3  }
0xa3: {  	[timem:s7], [sflag:s22] =	dma.local [hbm:s5], s20  }
0xa4: {  	_ =	swait.ge [sflag:s22], s20  }
0xa5: {  	s4 =	ssub.s32 $0x0, s20;
	[sflag:s22] =	ssyncset.done $0x0  }
0xa6: {  	[sflag:s22] =	ssyncadd.s32 s4;
	_ =	sdelay $0x1  }
0xa7: {  	s23 =	simm.s32 $0x1B8B  }
0xa8: {  	_ =	swait.ge [sflag:s23], $0x1  }
0xa9: {  	[sflag:s23] =	ssyncset.done $0x0  }
0xaa: {  	s25 =	simm.s32 $0x1B8E;
	s24 =	sld [smem:$0x3FFE];
	[sflag:s23] =	ssyncadd.s32 $0xFFFFFFFF  }
0xab: {  	s26 =	simm.s32 $execute0_lowered;
	[smem:$0x3FD2] =	sst s25  }
0xac: {  	s5 =	sshll.u32 s26, $0x1;
	_ =	strace $0x80000046;
	[dreg:$0x1] =	wrdreg $0xFFFFFFFF  }
0xad: {  	s28 =	simm.s32 $_size_execute0_lowered;
	s3 =	sadd.s32 s3, s5;
	[dreg:$0x0] =	wrdreg $0x0  }
0xae: {  	s5 =	sshll.u32 s28, $0x1;
	[dreg:$0x2] =	wrdreg s3  }
0xaf: {  	[dreg:$0x3] =	wrdreg s5  }
0xb0: {  	[dreg:$0x4] =	wrdreg $0xC0  }
0xb1: {  	_ =	task [dreg:s7], $0x5FFFF  }
0xb2: {  	[dreg:$0x1] =	wrdreg $0xFFFFFFFF  }
0xb3: {  	[dreg:$0x0] =	wrdreg $0x60  }
0xb4: {  	[dreg:$0x2] =	wrdreg s16  }
0xb5: {  	[dreg:$0x3] =	wrdreg s24  }
0xb6: {  	[dreg:$0x4] =	wrdreg $0x92000  }
0xb7: {  	[dreg:$0x5] =	wrdreg $0x9  }
0xb8: {  	_ =	task.clear_ibuf [dreg:s7], $0x6FFFF;
	_ =	strace $0x90000046  }
0xb9: {  	s29 =	simm.s32 $0x9;
	_ =	strace $0x80000048  }
0xba: {  	_ =	swait.ge [sflag:s29], $0x1  }
0xbb: {  	[sflag:s29] =	ssyncadd.s32 $0xFFFFFFFF  }
0xbc: {  	_ =	strace $0x90000048  }
0xbd: {  	_ =	sfence  }
0xbe: {  	s30 =	sld [smem:$0x0];
	_ =	sdelay $0x2  }
0xbf: {  	s31 =	sshll.u32 s1, $0xD;
	s1 =	sshrl.u32 s1, $0x2  }
0xc0: {  	s3 =	sand.u32 $0x4000, s31;
	s1 =	sadd.s32 s1, s30  }
0xc1: {  	s0 =	sor.u32 s3, s0;
	s1 =	sshll.u32 s1, $0x11  }
0xc2: {  	s0 =	sor.u32 s1, s0  }
0xc3: {  	s0 =	sadd.s32 $0x8F2B, s0  }
0xc4: {  	[sflag:s0] =	ssyncadd.remote.s32 $0x1  }
0xc5: {  	_ =	sfence.sel $0xFFFF  }
0xc6: {  	[dreg:$0x0] =	wrdreg $0xFFFFFFFF;
	(pc) =	sbr.abs _section_cstart, $3  }
0xc7: {  	[dreg:$0x1] =	wrdreg $0xFFFFFFFF  }
0xc8: {  	_ =	task.clear_ibuf [dreg:s7], $0x2FFFF;
	_ =	strace $0x9FFFFFFF  }
0xc9: {  	(tm) =	ssettm $0x7FFFFFFF  }
tec
execute0_lowered:
.L_overlay_start_1:
0x0: {  	(tag) =	ssettag $0x1  }
0x1: {  	s1 =	rddreg [dreg:$0x0]  }
0x2: {  	s0 =	rddreg [dreg:$0x1]  }
0x3: {  	s3 =	rddreg [dreg:$0x2];
	s2 =	srdreg.scid;
	s8 =	simm.s32 $0x0  }
0x4: {  	s18 =	simm.s32 $0x5;
	s19 =	simm.s32 $0x5200;
	s20 =	simm.s32 $0x40  }
0x5: {  	s21 =	simm.s32 $0x5000;
	s22 =	simm.s32 $0x1;
	s23 =	simm.s32 $0x5080  }
0x6: {  	s24 =	simm.s32 $0x7200;
	s28 =	simm.s32 $0x3;
	s29 =	simm.s32 $0x5180  }
0x7: {  	s30 =	simm.s32 $0x4;
	s4 =	sand.u32 $0x1, s2;
	s2 =	stileid.u32  }
0x8: {  	s31 =	simm.s32 $0x0;
	[smem:$0x7FF] =	sst s8;
	s6 =	smul.u32 $0x140000, s4  }
0x9: {  	s5 =	sshll.u32 s4, $0x4;
	s7 =	smul.u32 $0x14000, s2;
	_ =	strace $0x80000047  }
0xa: {  	s25 =	smul.u32 $0x50000, s2;
	s4 =	ssub.s32 $0x2, s4;
	s5 =	sor.u32 s2, s5  }
0xb: {  	s26 =	sshrl.u32 s4, $0x1;
	s5 =	smul.u32 $0xA00, s5;
	s6 =	sadd.s32 s7, s6  }
0xc: {  	s7 =	sshrl.u32 s25, $0x2;
	s4 =	ssub.s32 s4, s26;
	s25 =	simm.s32 $0x5100  }
0xd: {  	s26 =	simm.s32 $0x2;
	s6 =	sshrl.u32 s6, $0x3;
	s8 =	smax.u32 s4, $0x1  }
.Ltmp0:
0xe: {  	s5 =	sadd.s32 s5, s0;
	s0 =	sadd.s32 s6, s0;
	(pc) =	sbr.rel .LBB2_1-.Ltmp0, $4  }
0xf: {  	s6 =	sadd.s32 s7, s3;
	s5 =	sadd.s32 $0x1600, s5;
	s7 =	sadd.s32 $0x15600, s0  }
0x10: {  	s9 =	sadd.s32 $0x2000, s6;
	s10 =	sadd.s32 $0x4000, s6;
	s11 =	sadd.s32 $0x6000, s6  }
0x11: {  	s12 =	sadd.s32 $0x8000, s6;
	s13 =	sadd.s32 $0xA000, s6;
	s14 =	sadd.s32 $0xC000, s6  }
0x12: {  	v0 =	vimm.f32 $0.0e+00;
	s15 =	sadd.s32 $0xE000, s6;
	s16 =	sadd.s32 $0x10000, s6;
	s17 =	sadd.s32 $0x12000, s6  }
.LBB2_6:
0x13: {  	[spmem:s3] =	stream.indirect.scatter.add.f32 [tilespmem:s24], [sflag:$0x4], $0x80, s29, s20, $0xb8;
	[tilespmem:$0x1D200] =	vst v63  }
0x14: {  	_ =	swait.ge [sflag:s30], $0x2000  }
0x15: {  	s0 =	sshll.u32 s2, $0x6;
	s31 =	sadd.s32 $0x1, s31;
	[sflag:s30] =	ssyncset.done $0x0  }
0x16: {  	s4 =	sshrl.u32 s6, $0x3;
	p0 =	sne.s32 s31, s8;
	[sflag:s30] =	ssyncadd.s32 $0xFFFFE000  }
.Ltmp1:
0x17: {  	s0 =	sor.u32 $0x1C05, s0;
	[bflag:$0x0] =	sbarrier.arrive $0xFFFF;
	(pc) =	sbr.rel @!p0 .LBB2_7-.Ltmp1, $4  }
0x18: {  	[hbm:s7], [sflag:s0] =	dma.local [spmem:s4], $0x2800  }
0x19: {  	_ =	swait.ge [sflag:s18], $0x2800  }
0x1a: {  	[sflag:s18] =	ssyncset.done $0x0  }
0x1b: {  	[sflag:s18] =	ssyncadd.s32 $0xFFFFD800  }
.LBB2_1:
0x1c: {  	s0 =	simm.s32 $0x0  }
0x1d: {  	[tilespmem:s0], [sflag:$0x5] =	stream.linear.gather [hbm4b:s5+s0], $0x5000, $0x38;
	[tilespmem:$0x1D200] =	vst v63  }
0x1e: {  	_ =	swait.ge [sflag:s18], $0x5000  }
0x1f: {  	[sflag:s18] =	ssyncset.done $0x0  }
0x20: {  	s4 =	simm.s32 $0x200;
	s0 =	simm.s32 $0x0;
	[sflag:s18] =	ssyncadd.s32 $0xFFFFB000  }
.LBB2_2:
0x21: {  	p0 =	sne.s32 s4, $0x7E00;
	[tilespmem:s0+$0x5270] =	vst v0  }
0x22: {  	[tilespmem:s0+$0x5200] =	vst v0  }
0x23: {  	[tilespmem:s0+$0x5210] =	vst v0  }
.Ltmp2:
0x24: {  	[tilespmem:s0+$0x5220] =	vst v0;
	(pc) =	sbr.rel @p0 .LBB2_2-.Ltmp2, $4  }
0x25: {  	[tilespmem:s0+$0x5230] =	vst v0  }
0x26: {  	[tilespmem:s0+$0x5240] =	vst v0  }
0x27: {  	[tilespmem:s0+$0x5250] =	vst v0  }
0x28: {  	[tilespmem:s0+$0x5260] =	vst v0;
	s0 =	sshra.s32 s4, $0x2;
	s4 =	sadd.s32 $0x200, s4  }
0x29: {  	[tilespmem:s0+$0x5270] =	vst v0  }
0x2a: {  	[tilespmem:s0+$0x5200] =	vst v0  }
0x2b: {  	[tilespmem:s0+$0x5210] =	vst v0  }
0x2c: {  	[tilespmem:s0+$0x5220] =	vst v0  }
0x2d: {  	[tilespmem:s0+$0x5230] =	vst v0  }
0x2e: {  	[tilespmem:s0+$0x5240] =	vst v0  }
0x2f: {  	[tilespmem:s0+$0x5250] =	vst v0  }
0x30: {  	[tilespmem:s0+$0x5260] =	vst v0  }
0x31: {  	[spmem:s6] =	stream.linear.scatter [tilespmem:s19], [sflag:$0x5], $0x2000, $0x38;
	[tilespmem:$0x1D200] =	vst v63  }
0x32: {  	_ =	swait.ge [sflag:s18], $0x2000  }
0x33: {  	[sflag:s18] =	ssyncset.done $0x0  }
0x34: {  	[sflag:s18] =	ssyncadd.s32 $0xFFFFE000  }
0x35: {  	[spmem:s9] =	stream.linear.scatter [tilespmem:s19], [sflag:$0x5], $0x2000, $0x38;
	[tilespmem:$0x1D200] =	vst v63  }
0x36: {  	_ =	swait.ge [sflag:s18], $0x2000  }
0x37: {  	[sflag:s18] =	ssyncset.done $0x0  }
0x38: {  	[sflag:s18] =	ssyncadd.s32 $0xFFFFE000  }
0x39: {  	[spmem:s10] =	stream.linear.scatter [tilespmem:s19], [sflag:$0x5], $0x2000, $0x38;
	[tilespmem:$0x1D200] =	vst v63  }
0x3a: {  	_ =	swait.ge [sflag:s18], $0x2000  }
0x3b: {  	[sflag:s18] =	ssyncset.done $0x0  }
0x3c: {  	[sflag:s18] =	ssyncadd.s32 $0xFFFFE000  }
0x3d: {  	[spmem:s11] =	stream.linear.scatter [tilespmem:s19], [sflag:$0x5], $0x2000, $0x38;
	[tilespmem:$0x1D200] =	vst v63  }
0x3e: {  	_ =	swait.ge [sflag:s18], $0x2000  }
0x3f: {  	[sflag:s18] =	ssyncset.done $0x0  }
0x40: {  	[sflag:s18] =	ssyncadd.s32 $0xFFFFE000  }
0x41: {  	[spmem:s12] =	stream.linear.scatter [tilespmem:s19], [sflag:$0x5], $0x2000, $0x38;
	[tilespmem:$0x1D200] =	vst v63  }
0x42: {  	_ =	swait.ge [sflag:s18], $0x2000  }
0x43: {  	[sflag:s18] =	ssyncset.done $0x0  }
0x44: {  	[sflag:s18] =	ssyncadd.s32 $0xFFFFE000  }
0x45: {  	[spmem:s13] =	stream.linear.scatter [tilespmem:s19], [sflag:$0x5], $0x2000, $0x38;
	[tilespmem:$0x1D200] =	vst v63  }
0x46: {  	_ =	swait.ge [sflag:s18], $0x2000  }
0x47: {  	[sflag:s18] =	ssyncset.done $0x0  }
0x48: {  	[sflag:s18] =	ssyncadd.s32 $0xFFFFE000  }
0x49: {  	[spmem:s14] =	stream.linear.scatter [tilespmem:s19], [sflag:$0x5], $0x2000, $0x38;
	[tilespmem:$0x1D200] =	vst v63  }
0x4a: {  	_ =	swait.ge [sflag:s18], $0x2000  }
0x4b: {  	[sflag:s18] =	ssyncset.done $0x0  }
0x4c: {  	[sflag:s18] =	ssyncadd.s32 $0xFFFFE000  }
0x4d: {  	[spmem:s15] =	stream.linear.scatter [tilespmem:s19], [sflag:$0x5], $0x2000, $0x38;
	[tilespmem:$0x1D200] =	vst v63  }
0x4e: {  	_ =	swait.ge [sflag:s18], $0x2000  }
0x4f: {  	[sflag:s18] =	ssyncset.done $0x0  }
0x50: {  	[sflag:s18] =	ssyncadd.s32 $0xFFFFE000  }
0x51: {  	[spmem:s16] =	stream.linear.scatter [tilespmem:s19], [sflag:$0x5], $0x2000, $0x38;
	[tilespmem:$0x1D200] =	vst v63  }
0x52: {  	_ =	swait.ge [sflag:s18], $0x2000  }
0x53: {  	[sflag:s18] =	ssyncset.done $0x0  }
0x54: {  	[sflag:s18] =	ssyncadd.s32 $0xFFFFE000  }
0x55: {  	[spmem:s17] =	stream.linear.scatter [tilespmem:s19], [sflag:$0x5], $0x2000, $0x38;
	[tilespmem:$0x1D200] =	vst v63  }
0x56: {  	_ =	swait.ge [sflag:s18], $0x2000  }
0x57: {  	[sflag:s18] =	ssyncset.done $0x0  }
0x58: {  	[sflag:s18] =	ssyncadd.s32 $0xFFFFE000  }
0x59: {  	[bflag:$0x0] =	sbarrier.arrive $0xFFFF  }
0x5a: {  	v1 =	vld [tilespmem:$0x0];
	_ =	sdelay $0x1  }
0x5b: {  	v2 =	vld [tilespmem:$0x10];
	_ =	sdelay $0x1  }
0x5c: {  	v3 =	vld [tilespmem:$0x20]  }
0x5d: {  	v4 =	vand.u32 $0x3FFF, v1  }
0x5e: {  	v59 =	vld [tilespmem:$0x30];
	v1 =	vshrl.u32 v1, $0xE;
	[tilespmem:$0x5000] =	vst v4  }
0x5f: {  	[tilespmem:$0x5100] =	vst v1;
	v1 =	vand.u32 $0x3FFF, v2  }
0x60: {  	[tilespmem:$0x5010] =	vst v1;
	v1 =	vshrl.u32 v2, $0xE  }
0x61: {  	[tilespmem:$0x5110] =	vst v1;
	v1 =	vand.u32 $0x3FFF, v3  }
0x62: {  	[tilespmem:$0x5020] =	vst v1;
	v1 =	vshrl.u32 v3, $0xE  }
0x63: {  	[tilespmem:$0x5120] =	vst v1;
	v1 =	vand.u32 $0x3FFF, v59  }
0x64: {  	[tilespmem:$0x5030] =	vst v1;
	v1 =	vshrl.u32 v59, $0xE  }
0x65: {  	[tilespmem:$0x5130] =	vst v1  }
0x66: {  	[tilespmem:s19], [sflag:$0x1] =	stream.indirect.gather [hbm4b:s1+s20], $0x80, s21, s20, $0xb8;
	[tilespmem:$0x1D200] =	vst v63  }
0x67: {  	_ =	swait.ge [sflag:s22], $0x2000  }
0x68: {  	[sflag:s22] =	ssyncset.done $0x0  }
0x69: {  	[sflag:s22] =	ssyncadd.s32 $0xFFFFE000  }
0x6a: {  	v1 =	vld [tilespmem:$0x80];
	_ =	sdelay $0x1  }
0x6b: {  	v2 =	vld [tilespmem:$0x90];
	_ =	sdelay $0x1  }
0x6c: {  	v3 =	vld [tilespmem:$0xA0]  }
0x6d: {  	v60 =	vand.u32 $0x3FFF, v1  }
0x6e: {  	v61 =	vld [tilespmem:$0xB0];
	v1 =	vshrl.u32 v1, $0xE;
	[tilespmem:$0x5080] =	vst v60  }
0x6f: {  	[tilespmem:$0x5180] =	vst v1;
	v1 =	vand.u32 $0x3FFF, v2  }
0x70: {  	[tilespmem:$0x5090] =	vst v1;
	v1 =	vshrl.u32 v2, $0xE  }
0x71: {  	[tilespmem:$0x5190] =	vst v1;
	v1 =	vand.u32 $0x3FFF, v3  }
0x72: {  	[tilespmem:$0x50A0] =	vst v1;
	v1 =	vshrl.u32 v3, $0xE  }
0x73: {  	[tilespmem:$0x51A0] =	vst v1;
	v1 =	vand.u32 $0x3FFF, v61  }
0x74: {  	[tilespmem:$0x50B0] =	vst v1;
	v1 =	vshrl.u32 v61, $0xE  }
0x75: {  	[tilespmem:$0x51B0] =	vst v1  }
0x76: {  	[tilespmem:s24], [sflag:$0x2] =	stream.indirect.gather [hbm4b:s1+s20], $0x80, s23, s20, $0xb8;
	[tilespmem:$0x1D200] =	vst v63  }
0x77: {  	_ = 	snop  }
0x78: {  	[spmem:s3] =	stream.indirect.scatter.add.f32 [tilespmem:s19], [sflag:$0x3], $0x80, s25, s20, $0xb8;
	[tilespmem:$0x1D200] =	vst v63  }
0x79: {  	_ =	swait.ge [sflag:s26], $0x2000  }
0x7a: {  	[sflag:s26] =	ssyncset.done $0x0  }
0x7b: {  	[sflag:s26] =	ssyncadd.s32 $0xFFFFE000  }
0x7c: {  	_ =	swait.ge [sflag:s28], $0x2000  }
0x7d: {  	[sflag:s28] =	ssyncset.done $0x0  }
0x7e: {  	[sflag:s28] =	ssyncadd.s32 $0xFFFFE000  }
0x7f: {  	v1 =	vld [tilespmem:$0x100];
	_ =	sdelay $0x1  }
0x80: {  	v2 =	vld [tilespmem:$0x110];
	_ =	sdelay $0x1  }
0x81: {  	v3 =	vld [tilespmem:$0x120]  }
0x82: {  	v62 =	vand.u32 $0x3FFF, v1  }
0x83: {  	v63 =	vld [tilespmem:$0x130];
	v1 =	vshrl.u32 v1, $0xE;
	[tilespmem:$0x5000] =	vst v62  }
0x84: {  	[tilespmem:$0x5100] =	vst v1;
	v1 =	vand.u32 $0x3FFF, v2  }
0x85: {  	[tilespmem:$0x5010] =	vst v1;
	v1 =	vshrl.u32 v2, $0xE  }
0x86: {  	[tilespmem:$0x5110] =	vst v1;
	v1 =	vand.u32 $0x3FFF, v3  }
0x87: {  	[tilespmem:$0x5020] =	vst v1;
	v1 =	vshrl.u32 v3, $0xE  }
0x88: {  	[tilespmem:$0x5120] =	vst v1;
	v1 =	vand.u32 $0x3FFF, v63  }
0x89: {  	[tilespmem:$0x5030] =	vst v1;
	v1 =	vshrl.u32 v63, $0xE  }
0x8a: {  	[tilespmem:$0x5130] =	vst v1  }
0x8b: {  	[tilespmem:s19], [sflag:$0x1] =	stream.indirect.gather [hbm4b:s1+s20], $0x80, s21, s20, $0xb8;
	[tilespmem:$0x1D200] =	vst v63  }
0x8c: {  	s0 =	simm.s32 $0x0  }
0x8d: {  	[spmem:s3] =	stream.indirect.scatter.add.f32 [tilespmem:s24], [sflag:$0x4], $0x80, s29, s20, $0xb8;
	[tilespmem:$0x1D200] =	vst v63  }
.LBB2_4:
0x8e: {  	_ =	swait.ge [sflag:s22], $0x2000  }
0x8f: {  	[sflag:s22] =	ssyncset.done $0x0  }
0x90: {  	[sflag:s22] =	ssyncadd.s32 $0xFFFFE000  }
0x91: {  	_ =	swait.ge [sflag:s30], $0x2000  }
0x92: {  	[sflag:s30] =	ssyncset.done $0x0  }
0x93: {  	s4 =	sshra.s32 s0, $0x2;
	[sflag:s30] =	ssyncadd.s32 $0xFFFFE000  }
0x94: {  	v1 =	vld [tilespmem:s4+$0x180];
	_ =	sdelay $0x4  }
0x95: {  	v2 =	vand.u32 $0x3FFF, v1  }
0x96: {  	v1 =	vshrl.u32 v1, $0xE;
	[tilespmem:$0x5080] =	vst v2  }
0x97: {  	[tilespmem:$0x5180] =	vst v1  }
0x98: {  	v1 =	vld [tilespmem:s4+$0x190];
	_ =	sdelay $0x4  }
0x99: {  	v2 =	vand.u32 $0x3FFF, v1  }
0x9a: {  	v1 =	vshrl.u32 v1, $0xE;
	[tilespmem:$0x5090] =	vst v2  }
0x9b: {  	[tilespmem:$0x5190] =	vst v1  }
0x9c: {  	v1 =	vld [tilespmem:s4+$0x1A0];
	_ =	sdelay $0x4  }
0x9d: {  	v2 =	vand.u32 $0x3FFF, v1  }
0x9e: {  	v1 =	vshrl.u32 v1, $0xE;
	[tilespmem:$0x50A0] =	vst v2  }
0x9f: {  	[tilespmem:$0x51A0] =	vst v1  }
0xa0: {  	v1 =	vld [tilespmem:s4+$0x1B0];
	_ =	sdelay $0x4  }
0xa1: {  	v2 =	vand.u32 $0x3FFF, v1  }
0xa2: {  	v1 =	vshrl.u32 v1, $0xE;
	[tilespmem:$0x50B0] =	vst v2  }
0xa3: {  	[tilespmem:$0x51B0] =	vst v1  }
0xa4: {  	[tilespmem:s24], [sflag:$0x2] =	stream.indirect.gather [hbm4b:s1+s20], $0x80, s23, s20, $0xb8;
	[tilespmem:$0x1D200] =	vst v63  }
0xa5: {  	_ = 	snop  }
0xa6: {  	[spmem:s3] =	stream.indirect.scatter.add.f32 [tilespmem:s19], [sflag:$0x3], $0x80, s25, s20, $0xb8;
	[tilespmem:$0x1D200] =	vst v63  }
0xa7: {  	p0 =	seq.s32 s0, $0x13800;
	_ =	swait.ge [sflag:s26], $0x2000  }
.Ltmp3:
0xa8: {  	[sflag:s26] =	ssyncset.done $0x0;
	(pc) =	sbr.rel @p0 .LBB2_6-.Ltmp3, $4  }
0xa9: {  	[sflag:s26] =	ssyncadd.s32 $0xFFFFE000  }
0xaa: {  	_ =	swait.ge [sflag:s28], $0x2000  }
0xab: {  	[sflag:s28] =	ssyncset.done $0x0  }
0xac: {  	[sflag:s28] =	ssyncadd.s32 $0xFFFFE000  }
0xad: {  	v1 =	vld [tilespmem:s4+$0x200];
	_ =	sdelay $0x4  }
0xae: {  	v2 =	vand.u32 $0x3FFF, v1  }
0xaf: {  	v1 =	vshrl.u32 v1, $0xE;
	[tilespmem:$0x5000] =	vst v2  }
0xb0: {  	[tilespmem:$0x5100] =	vst v1  }
0xb1: {  	v1 =	vld [tilespmem:s4+$0x210];
	_ =	sdelay $0x4  }
0xb2: {  	v2 =	vand.u32 $0x3FFF, v1  }
0xb3: {  	v1 =	vshrl.u32 v1, $0xE;
	[tilespmem:$0x5010] =	vst v2  }
0xb4: {  	[tilespmem:$0x5110] =	vst v1  }
0xb5: {  	v1 =	vld [tilespmem:s4+$0x220];
	_ =	sdelay $0x4  }
0xb6: {  	v2 =	vand.u32 $0x3FFF, v1  }
0xb7: {  	v1 =	vshrl.u32 v1, $0xE;
	[tilespmem:$0x5020] =	vst v2  }
0xb8: {  	[tilespmem:$0x5120] =	vst v1  }
0xb9: {  	v1 =	vld [tilespmem:s4+$0x230];
	_ =	sdelay $0x4  }
0xba: {  	v2 =	vand.u32 $0x3FFF, v1  }
.Ltmp4:
0xbb: {  	v1 =	vshrl.u32 v1, $0xE;
	[tilespmem:$0x5030] =	vst v2;
	(pc) =	sbr.rel .LBB2_4-.Ltmp4, $4  }
0xbc: {  	[tilespmem:$0x5130] =	vst v1  }
0xbd: {  	[tilespmem:s19], [sflag:$0x1] =	stream.indirect.gather [hbm4b:s1+s20], $0x80, s21, s20, $0xb8;
	[tilespmem:$0x1D200] =	vst v63  }
0xbe: {  	s0 =	sadd.s32 $0x400, s0  }
0xbf: {  	[spmem:s3] =	stream.indirect.scatter.add.f32 [tilespmem:s24], [sflag:$0x4], $0x80, s29, s20, $0xb8;
	[tilespmem:$0x1D200] =	vst v63  }
.LBB2_7:
0xc0: {  	_ =	sfence.sel $0x180000  }
0xc1: {  	[bflag:$0x0] =	sbarrier.arrive $0xFFFF  }
0xc2: {  	_ =	strace $0x90000047  }
0xc3: {  	[bflag:$0x2] =	sbarrier.arrive $0xFFFF  }
0xc4: {  	p0 =	sne.s32 s2, $0x0;
	s0 =	rddreg [dreg:$0x3]  }
0xc5: {  	s0 =	sadd.s32 @!p0 $0x100000, s0  }
0xc6: {  	[sflag:s0] =	ssyncadd.tile.s32 @!p0 $0x1;
	_ =	shalt  }
.Lfunc_end2:
_tile_overlayer_lowered:
.L_overlay_start_2:
0xc7: {  	(tag) =	ssettag $0x2  }
0xc8: {  	s0 =	rddreg [dreg:$0x0];
	s2 =	stileid.u32  }
0xc9: {  	s1 =	rddreg [dreg:$0x1];
	p0 =	sne.s32 s2, $0x0  }
0xca: {  	s3 =	rddreg [dreg:$0x2];
	[bflag:$0x3] =	sbarrier.arrive $0xFFFF;
	s2 =	simm.s32 @!p0 $0x1C05  }
0xcb: {  	[timem:s3], [sflag:s2] =	dma.local @!p0 [hbm:s0], s1  }
0xcc: {  	s0 =	simm.s32 @!p0 $0x5  }
0xcd: {  	_ =	swait.ge @!p0 [sflag:s0], s1  }
0xce: {  	s1 =	ssub.s32 @!p0 $0x0, s1;
	[sflag:s0] =	ssyncset.done @!p0 $0x0  }
0xcf: {  	[sflag:s0] =	ssyncadd.s32 @!p0 s1  }
0xd0: {  	[bflag:$0x3] =	sbarrier.arrive $0xFFFF  }
0xd1: {  	_ =	shalt  }

</sc_bundles>
